<compile_context>
chip_gen: v7x
topology: tpu7x:2x2x1
jax: 0.10.2.dev20260603
libtpu: 0.0.44.dev20260713+nightly
codegen_flags: <defaults>
</compile_context>

<pallas_src>
import functools

import jax
import jax.numpy as jnp
from jax import lax
from jax.experimental import pallas as pl
from jax.experimental.pallas import tpu as pltpu
from jax.experimental.pallas import tpu_sc as plsc

_NC, _NS, _L = 2, 16, 16
_NW = _NC * _NS
_CH = 16
_UNROLL = 8


def _make_sc_kernel(B, S, D):
    assert B == 4 and S % (_NW * _CH) == 0 and D % (_L * _UNROLL) == 0
    spw = S // _NW
    n_chunks = spw // _CH

    mesh = plsc.VectorSubcoreMesh(
        core_axis_name="c", subcore_axis_name="s",
        num_cores=_NC, num_subcores=_NS,
    )

    @functools.partial(
        pl.kernel,
        out_type=jax.ShapeDtypeStruct((B, S, D), jnp.float32),
        mesh=mesh,
        scratch_types=[
            pltpu.VMEM((4 * _CH, D), jnp.float32),
            pltpu.VMEM((2 * _CH, D), jnp.float32),
            [pltpu.SemaphoreType.DMA] * 4,
            [pltpu.SemaphoreType.DMA] * 4,
            pltpu.SemaphoreType.DMA,
        ],
        compiler_params=pltpu.CompilerParams(use_tc_tiling_on_sc=True),
    )
    def sc_add(x_hbm, emb_hbm, out_hbm, xring, embbuf, in_sems, out_sems,
               emb_sem):
        wid = lax.axis_index("s") * _NC + lax.axis_index("c")
        row_base = wid * spw

        def issue_in(g, j, slot):
            pltpu.async_copy(
                x_hbm.at[j, pl.ds(row_base + g * _CH, _CH)],
                xring.at[pl.ds(slot * _CH, _CH)],
                in_sems[slot],
            )

        def issue_out(g, j, slot):
            pltpu.async_copy(
                xring.at[pl.ds(slot * _CH, _CH)],
                out_hbm.at[j, pl.ds(row_base + g * _CH, _CH)],
                out_sems[slot],
            )

        def wait_in(slot):
            pltpu.make_async_copy(
                x_hbm.at[0, pl.ds(0, _CH)],
                xring.at[pl.ds(slot * _CH, _CH)],
                in_sems[slot],
            ).wait()

        def wait_out(slot):
            pltpu.make_async_copy(
                xring.at[pl.ds(slot * _CH, _CH)],
                out_hbm.at[0, pl.ds(0, _CH)],
                out_sems[slot],
            ).wait()

        def issue_emb(g):
            pltpu.async_copy(
                emb_hbm.at[pl.ds(row_base + g * _CH, _CH)],
                embbuf.at[pl.ds((g % 2) * _CH, _CH)],
                emb_sem,
            )

        def wait_emb():
            pltpu.make_async_copy(
                emb_hbm.at[pl.ds(0, _CH)],
                embbuf.at[pl.ds(0, _CH)],
                emb_sem,
            ).wait()

        issue_emb(0)
        issue_in(0, 0, 0)
        issue_in(0, 1, 1)

        def group(g, _):
            wait_emb()
            ebase = (g % 2) * _CH

            @pl.when(g < n_chunks - 1)
            def _():
                issue_emb(g + 1)

            for j in range(4):
                jp2 = (j + 2) % 4
                if j < 2:
                    @pl.when(g > 0)
                    def _():
                        wait_out(jp2)
                    issue_in(g, j + 2, jp2)
                else:
                    wait_out(jp2)

                    @pl.when(g < n_chunks - 1)
                    def _():
                        issue_in(g + 1, j - 2, jp2)

                wait_in(j)

                def row_loop(r, _):
                    xrow = j * _CH + r
                    erow = ebase + r

                    @plsc.parallel_loop(0, D // _L, unroll=_UNROLL)
                    def col_loop(c):
                        plsc.addupdate(
                            xring.at[xrow, pl.ds(c * _L, _L)],
                            embbuf[erow, pl.ds(c * _L, _L)],
                        )

                    return 0

                lax.fori_loop(0, _CH, row_loop, 0)
                issue_out(g, j, j)
            return 0

        lax.fori_loop(0, n_chunks, group, 0)
        wait_out(2)
        wait_out(3)

    return sc_add


def kernel(x, emb_weight):
    B, S, D = x.shape
    sc_add = _make_sc_kernel(B, S, D)
    return sc_add(x, emb_weight)

# --- scband reference (transcript-rebuilt; emitter-appended) ---
"""Pipeline reference for scband-positional-encoding-24240795419247 (READ-ONLY COPY).

The authoritative reference and input builder live on the scoring server;
editing this copy changes nothing except your own understanding.
"""

import jax, jax.numpy as jnp
import numpy as np

D_MODEL = 1024
MAX_LEN = 8192

def setup_inputs(seed: int = 0) -> dict:
    key = jax.random.key(seed)
    k1, k2 = jax.random.split(key)
    x = jax.random.normal(k1, (4, 8192, D_MODEL), dtype=jnp.float32)
    # learned positional embedding table (nn.Embedding weight)
    emb_weight = jax.random.normal(k2, (MAX_LEN, D_MODEL), dtype=jnp.float32)
    return {"x": x, "emb_weight": emb_weight}

def reference(x, emb_weight):
    seq_len = x.shape[1]
    positions = jnp.arange(seq_len)[None, :]  # [1, S]
    pos_embed = jnp.take(emb_weight, positions, axis=0)  # [1, S, D]
    return x + pos_embed

if __name__ == "__main__":
    import jax
    _d = setup_inputs()
    print(jax.jit(kernel)(*tuple(_d.values())))

</pallas_src>

<mosaic_0001>
#map = affine_map<(d0, d1) -> (0, 0, 0)>
#map1 = affine_map<(d0, d1) -> (0, 0)>
module attributes {stable_mosaic.version = 14 : i64} {
  func.func @sc_add(%arg0: i32, %arg1: i32, %arg2: memref<4x8192x1024xf32, #tpu.memory_space<hbm>>, %arg3: memref<8192x1024xf32, #tpu.memory_space<hbm>>, %arg4: memref<4x8192x1024xf32, #tpu.memory_space<hbm>>, %arg5: memref<64x1024xf32, #tpu.memory_space<vmem>>, %arg6: memref<32x1024xf32, #tpu.memory_space<vmem>>, %arg7: memref<!tpu.dma_semaphore, #tpu.memory_space<semaphore_mem>>, %arg8: memref<!tpu.dma_semaphore, #tpu.memory_space<semaphore_mem>>, %arg9: memref<!tpu.dma_semaphore, #tpu.memory_space<semaphore_mem>>, %arg10: memref<!tpu.dma_semaphore, #tpu.memory_space<semaphore_mem>>, %arg11: memref<!tpu.dma_semaphore, #tpu.memory_space<semaphore_mem>>, %arg12: memref<!tpu.dma_semaphore, #tpu.memory_space<semaphore_mem>>, %arg13: memref<!tpu.dma_semaphore, #tpu.memory_space<semaphore_mem>>, %arg14: memref<!tpu.dma_semaphore, #tpu.memory_space<semaphore_mem>>, %arg15: memref<!tpu.dma_semaphore, #tpu.memory_space<semaphore_mem>>) attributes {dimension_semantics = [#tpu.dimension_semantics<core_parallel>, #tpu.dimension_semantics<subcore_parallel>], iteration_bounds = array<i64: 2, 16>, scalar_prefetch = 0 : i64, scratch_operands = 11 : i64, tpu.core_type = #tpu.core_type<sc_vector_subcore>, window_params = [{transform_indices = #map}, {transform_indices = #map1}, {transform_indices = #map}]} {
    %mul3A = arith.constant 2 : i32
    %mul3A_0 = arith.muli %arg1, %mul3A : i32
    %add3A = arith.addi %mul3A_0, %arg0 : i32
    %mul3A_1 = arith.constant 256 : i32
    %mul3A_2 = arith.muli %add3A, %mul3A_1 : i32
    %add3A_3 = arith.constant 0 : i32
    %add3A_4 = arith.addi %mul3A_2, %add3A_3 : i32
    %dma_start3A = arith.constant 0 : i32
    %dma_start3A_5 = arith.constant 0 : i32
    %dma_start3A_6 = tpu.memref_slice %arg6[%dma_start3A, %dma_start3A_5] : memref<32x1024xf32, #tpu.memory_space<vmem>> -> memref<16x1024xf32, #tpu.memory_space<vmem>>
    %dma_start3A_7 = arith.constant 0 : i32
    %dma_start3A_8 = tpu.memref_slice %arg3[%add3A_4, %dma_start3A_7] : memref<8192x1024xf32, #tpu.memory_space<hbm>> -> memref<16x1024xf32, #tpu.memory_space<hbm>>
    %dma_start3A_9 = arith.constant 0 : i32
    %dma_start3A_10 = arith.constant 0 : i32
    %dma_start3A_11 = tpu.memref_slice %arg6[%dma_start3A_9, %dma_start3A_10] : memref<32x1024xf32, #tpu.memory_space<vmem>> -> memref<16x1024xf32, #tpu.memory_space<vmem>>
    %dma_start3A_12 = arith.constant 0 : i32
    %dma_start3A_13 = tpu.memref_slice %arg3[%add3A_4, %dma_start3A_12] : memref<8192x1024xf32, #tpu.memory_space<hbm>> -> memref<16x1024xf32, #tpu.memory_space<hbm>>
    tpu.enqueue_dma source(%dma_start3A_13 : memref<16x1024xf32, #tpu.memory_space<hbm>>) target(%dma_start3A_11 : memref<16x1024xf32, #tpu.memory_space<vmem>>) target_semaphore(%arg15 : memref<!tpu.dma_semaphore, #tpu.memory_space<semaphore_mem>>)
    %add3A_14 = arith.constant 0 : i32
    %add3A_15 = arith.addi %mul3A_2, %add3A_14 : i32
    %dma_start3A_16 = arith.constant 0 : i32
    %dma_start3A_17 = arith.constant 0 : i32
    %dma_start3A_18 = arith.constant 0 : i32
    %dma_start3A_19 = tpu.memref_slice %arg5[%dma_start3A_17, %dma_start3A_18] : memref<64x1024xf32, #tpu.memory_space<vmem>> -> memref<16x1024xf32, #tpu.memory_space<vmem>>
    %dma_start3A_20 = arith.constant 0 : i32
    %dma_start3A_21 = tpu.memref_slice %arg2[%dma_start3A_16, %add3A_15, %dma_start3A_20] : memref<4x8192x1024xf32, #tpu.memory_space<hbm>> -> memref<1x16x1024xf32, #tpu.memory_space<hbm>>
    %dma_start3A_22 = tpu.memref_squeeze %dma_start3A_21 : memref<1x16x1024xf32, #tpu.memory_space<hbm>> -> memref<16x1024xf32, #tpu.memory_space<hbm>>
    %dma_start3A_23 = arith.constant 0 : i32
    %dma_start3A_24 = arith.constant 0 : i32
    %dma_start3A_25 = tpu.memref_slice %arg5[%dma_start3A_23, %dma_start3A_24] : memref<64x1024xf32, #tpu.memory_space<vmem>> -> memref<16x1024xf32, #tpu.memory_space<vmem>>
    %dma_start3A_26 = arith.constant 0 : i32
    %dma_start3A_27 = tpu.memref_slice %arg2[%dma_start3A_16, %add3A_15, %dma_start3A_26] : memref<4x8192x1024xf32, #tpu.memory_space<hbm>> -> memref<1x16x1024xf32, #tpu.memory_space<hbm>>
    %dma_start3A_28 = tpu.memref_squeeze %dma_start3A_27 : memref<1x16x1024xf32, #tpu.memory_space<hbm>> -> memref<16x1024xf32, #tpu.memory_space<hbm>>
    tpu.enqueue_dma source(%dma_start3A_28 : memref<16x1024xf32, #tpu.memory_space<hbm>>) target(%dma_start3A_25 : memref<16x1024xf32, #tpu.memory_space<vmem>>) target_semaphore(%arg7 : memref<!tpu.dma_semaphore, #tpu.memory_space<semaphore_mem>>)
    %add3A_29 = arith.constant 0 : i32
    %add3A_30 = arith.addi %mul3A_2, %add3A_29 : i32
    %dma_start3A_31 = arith.constant 1 : i32
    %dma_start3A_32 = arith.constant 16 : i32
    %dma_start3A_33 = arith.constant 0 : i32
    %dma_start3A_34 = tpu.memref_slice %arg5[%dma_start3A_32, %dma_start3A_33] : memref<64x1024xf32, #tpu.memory_space<vmem>> -> memref<16x1024xf32, #tpu.memory_space<vmem>>
    %dma_start3A_35 = arith.constant 0 : i32
    %dma_start3A_36 = tpu.memref_slice %arg2[%dma_start3A_31, %add3A_30, %dma_start3A_35] : memref<4x8192x1024xf32, #tpu.memory_space<hbm>> -> memref<1x16x1024xf32, #tpu.memory_space<hbm>>
    %dma_start3A_37 = tpu.memref_squeeze %dma_start3A_36 : memref<1x16x1024xf32, #tpu.memory_space<hbm>> -> memref<16x1024xf32, #tpu.memory_space<hbm>>
    %dma_start3A_38 = arith.constant 16 : i32
    %dma_start3A_39 = arith.constant 0 : i32
    %dma_start3A_40 = tpu.memref_slice %arg5[%dma_start3A_38, %dma_start3A_39] : memref<64x1024xf32, #tpu.memory_space<vmem>> -> memref<16x1024xf32, #tpu.memory_space<vmem>>
    %dma_start3A_41 = arith.constant 0 : i32
    %dma_start3A_42 = tpu.memref_slice %arg2[%dma_start3A_31, %add3A_30, %dma_start3A_41] : memref<4x8192x1024xf32, #tpu.memory_space<hbm>> -> memref<1x16x1024xf32, #tpu.memory_space<hbm>>
    %dma_start3A_43 = tpu.memref_squeeze %dma_start3A_42 : memref<1x16x1024xf32, #tpu.memory_space<hbm>> -> memref<16x1024xf32, #tpu.memory_space<hbm>>
    tpu.enqueue_dma source(%dma_start3A_43 : memref<16x1024xf32, #tpu.memory_space<hbm>>) target(%dma_start3A_40 : memref<16x1024xf32, #tpu.memory_space<vmem>>) target_semaphore(%arg8 : memref<!tpu.dma_semaphore, #tpu.memory_space<semaphore_mem>>)
    %scan3A = arith.constant 0 : i32
    %scan3A_44 = arith.constant 0 : i32
    %scan3A_45 = arith.constant 16 : i32
    %scan3A_46 = arith.addi %scan3A_44, %scan3A_45 : i32
    %scan3A_47 = arith.constant 1 : i32
    %scan3A_48 = scf.for %scan3A_79 = %scan3A_44 to %scan3A_46 step %scan3A_47 iter_args(%scan3A_80 = %scan3A) -> (i32)  : i32 {
      %dma_wait3A_81 = arith.constant 0 : i32
      %dma_wait3A_82 = arith.constant 0 : i32
      %dma_wait3A_83 = tpu.memref_slice %arg6[%dma_wait3A_81, %dma_wait3A_82] : memref<32x1024xf32, #tpu.memory_space<vmem>> -> memref<16x1024xf32, #tpu.memory_space<vmem>>
      %dma_wait3A_84 = arith.constant 0 : i32
      %dma_wait3A_85 = arith.constant 0 : i32
      %dma_wait3A_86 = tpu.memref_slice %arg3[%dma_wait3A_84, %dma_wait3A_85] : memref<8192x1024xf32, #tpu.memory_space<hbm>> -> memref<16x1024xf32, #tpu.memory_space<hbm>>
      %dma_wait3A_87 = arith.constant 0 : i32
      %dma_wait3A_88 = arith.constant 0 : i32
      %dma_wait3A_89 = tpu.memref_slice %arg6[%dma_wait3A_87, %dma_wait3A_88] : memref<32x1024xf32, #tpu.memory_space<vmem>> -> memref<16x1024xf32, #tpu.memory_space<vmem>>
      %dma_wait3A_90 = arith.constant 0 : i32
      %dma_wait3A_91 = arith.constant 0 : i32
      %dma_wait3A_92 = tpu.memref_slice %arg3[%dma_wait3A_90, %dma_wait3A_91] : memref<8192x1024xf32, #tpu.memory_space<hbm>> -> memref<16x1024xf32, #tpu.memory_space<hbm>>
      tpu.wait_dma2 semaphore(%arg15 : memref<!tpu.dma_semaphore, #tpu.memory_space<semaphore_mem>>) src(%dma_wait3A_92 : memref<16x1024xf32, #tpu.memory_space<hbm>>) dst(%dma_wait3A_89 : memref<16x1024xf32, #tpu.memory_space<vmem>>)
      %jit3A = arith.constant 2 : i32
      %eq3A = arith.constant 0 : i32
      %eq3A_93 = arith.cmpi eq, %jit3A, %eq3A : i32
      %jit3A_94 = arith.constant 1 : i32
      %select_n3A = arith.select %eq3A_93, %jit3A_94, %jit3A : i32
      %rem3A = arith.remsi %scan3A_79, %select_n3A : i32
      %ne3A = arith.constant 0 : i32
      %ne3A_95 = arith.cmpi ne, %rem3A, %ne3A : i32
      %lt3A = arith.constant 0 : i32
      %lt3A_96 = arith.cmpi slt, %rem3A, %lt3A : i32
      %lt3A_97 = arith.constant 0 : i32
      %lt3A_98 = arith.cmpi slt, %select_n3A, %lt3A_97 : i32
      %ne3A_99 = arith.xori %lt3A_96, %lt3A_98 : i1
      %and3A = arith.andi %ne3A_99, %ne3A_95 : i1
      %add3A_100 = arith.addi %rem3A, %select_n3A : i32
      %select_n3A_101 = arith.select %and3A, %add3A_100, %rem3A : i32
      %mul3A_102 = arith.constant 16 : i32
      %mul3A_103 = arith.muli %select_n3A_101, %mul3A_102 : i32
      %lt3A_104 = arith.constant 15 : i32
      %lt3A_105 = arith.cmpi slt, %scan3A_79, %lt3A_104 : i32
      %convert_element_type3A = arith.extui %lt3A_105 : i1 to i32
      %cond3A = arith.constant 0 : i32
      %cond3A_106 = arith.cmpi ne, %convert_element_type3A, %cond3A : i32
      scf.if %cond3A_106 {
        %add3A_341 = arith.constant 1 : i32
        %add3A_342 = arith.addi %scan3A_79, %add3A_341 : i32
        %mul3A_343 = arith.constant 16 : i32
        %mul3A_344 = arith.muli %add3A_342, %mul3A_343 : i32
        %add3A_345 = arith.addi %mul3A_2, %mul3A_344 : i32
        %jit3A_346 = arith.constant 2 : i32
        %eq3A_347 = arith.constant 0 : i32
        %eq3A_348 = arith.cmpi eq, %jit3A_346, %eq3A_347 : i32
        %jit3A_349 = arith.constant 1 : i32
        %select_n3A_350 = arith.select %eq3A_348, %jit3A_349, %jit3A_346 : i32
        %rem3A_351 = arith.remsi %add3A_342, %select_n3A_350 : i32
        %ne3A_352 = arith.constant 0 : i32
        %ne3A_353 = arith.cmpi ne, %rem3A_351, %ne3A_352 : i32
        %lt3A_354 = arith.constant 0 : i32
        %lt3A_355 = arith.cmpi slt, %rem3A_351, %lt3A_354 : i32
        %lt3A_356 = arith.constant 0 : i32
        %lt3A_357 = arith.cmpi slt, %select_n3A_350, %lt3A_356 : i32
        %ne3A_358 = arith.xori %lt3A_355, %lt3A_357 : i1
        %and3A_359 = arith.andi %ne3A_358, %ne3A_353 : i1
        %add3A_360 = arith.addi %rem3A_351, %select_n3A_350 : i32
        %select_n3A_361 = arith.select %and3A_359, %add3A_360, %rem3A_351 : i32
        %mul3A_362 = arith.constant 16 : i32
        %mul3A_363 = arith.muli %select_n3A_361, %mul3A_362 : i32
        %dma_start3A_364 = arith.constant 0 : i32
        %dma_start3A_365 = tpu.memref_slice %arg6[%mul3A_363, %dma_start3A_364] : memref<32x1024xf32, #tpu.memory_space<vmem>> -> memref<16x1024xf32, #tpu.memory_space<vmem>>
        %dma_start3A_366 = arith.constant 0 : i32
        %dma_start3A_367 = tpu.memref_slice %arg3[%add3A_345, %dma_start3A_366] : memref<8192x1024xf32, #tpu.memory_space<hbm>> -> memref<16x1024xf32, #tpu.memory_space<hbm>>
        %dma_start3A_368 = arith.constant 0 : i32
        %dma_start3A_369 = tpu.memref_slice %arg6[%mul3A_363, %dma_start3A_368] : memref<32x1024xf32, #tpu.memory_space<vmem>> -> memref<16x1024xf32, #tpu.memory_space<vmem>>
        %dma_start3A_370 = arith.constant 0 : i32
        %dma_start3A_371 = tpu.memref_slice %arg3[%add3A_345, %dma_start3A_370] : memref<8192x1024xf32, #tpu.memory_space<hbm>> -> memref<16x1024xf32, #tpu.memory_space<hbm>>
        tpu.enqueue_dma source(%dma_start3A_371 : memref<16x1024xf32, #tpu.memory_space<hbm>>) target(%dma_start3A_369 : memref<16x1024xf32, #tpu.memory_space<vmem>>) target_semaphore(%arg15 : memref<!tpu.dma_semaphore, #tpu.memory_space<semaphore_mem>>)
      } else {
      }
      %gt3A = arith.constant 0 : i32
      %gt3A_107 = arith.cmpi sgt, %scan3A_79, %gt3A : i32
      %convert_element_type3A_108 = arith.extui %gt3A_107 : i1 to i32
      %cond3A_109 = arith.constant 0 : i32
      %cond3A_110 = arith.cmpi ne, %convert_element_type3A_108, %cond3A_109 : i32
      scf.if %cond3A_110 {
        %dma_wait3A_341 = arith.constant 0 : i32
        %dma_wait3A_342 = arith.constant 32 : i32
        %dma_wait3A_343 = arith.constant 0 : i32
        %dma_wait3A_344 = tpu.memref_slice %arg5[%dma_wait3A_342, %dma_wait3A_343] : memref<64x1024xf32, #tpu.memory_space<vmem>> -> memref<16x1024xf32, #tpu.memory_space<vmem>>
        %dma_wait3A_345 = arith.constant 0 : i32
        %dma_wait3A_346 = arith.constant 0 : i32
        %dma_wait3A_347 = tpu.memref_slice %arg4[%dma_wait3A_341, %dma_wait3A_345, %dma_wait3A_346] : memref<4x8192x1024xf32, #tpu.memory_space<hbm>> -> memref<1x16x1024xf32, #tpu.memory_space<hbm>>
        %dma_wait3A_348 = tpu.memref_squeeze %dma_wait3A_347 : memref<1x16x1024xf32, #tpu.memory_space<hbm>> -> memref<16x1024xf32, #tpu.memory_space<hbm>>
        %dma_wait3A_349 = arith.constant 0 : i32
        %dma_wait3A_350 = arith.constant 0 : i32
        %dma_wait3A_351 = tpu.memref_slice %arg4[%dma_wait3A_341, %dma_wait3A_349, %dma_wait3A_350] : memref<4x8192x1024xf32, #tpu.memory_space<hbm>> -> memref<1x16x1024xf32, #tpu.memory_space<hbm>>
        %dma_wait3A_352 = tpu.memref_squeeze %dma_wait3A_351 : memref<1x16x1024xf32, #tpu.memory_space<hbm>> -> memref<16x1024xf32, #tpu.memory_space<hbm>>
        %dma_wait3A_353 = arith.constant 32 : i32
        %dma_wait3A_354 = arith.constant 0 : i32
        %dma_wait3A_355 = tpu.memref_slice %arg5[%dma_wait3A_353, %dma_wait3A_354] : memref<64x1024xf32, #tpu.memory_space<vmem>> -> memref<16x1024xf32, #tpu.memory_space<vmem>>
        tpu.wait_dma2 semaphore(%arg13 : memref<!tpu.dma_semaphore, #tpu.memory_space<semaphore_mem>>) src(%dma_wait3A_355 : memref<16x1024xf32, #tpu.memory_space<vmem>>) dst(%dma_wait3A_352 : memref<16x1024xf32, #tpu.memory_space<hbm>>)
      } else {
      }
      %mul3A_111 = arith.constant 16 : i32
      %mul3A_112 = arith.muli %scan3A_79, %mul3A_111 : i32
      %add3A_113 = arith.addi %mul3A_2, %mul3A_112 : i32
      %dma_start3A_114 = arith.constant 2 : i32
      %dma_start3A_115 = arith.constant 32 : i32
      %dma_start3A_116 = arith.constant 0 : i32
      %dma_start3A_117 = tpu.memref_slice %arg5[%dma_start3A_115, %dma_start3A_116] : memref<64x1024xf32, #tpu.memory_space<vmem>> -> memref<16x1024xf32, #tpu.memory_space<vmem>>
      %dma_start3A_118 = arith.constant 0 : i32
      %dma_start3A_119 = tpu.memref_slice %arg2[%dma_start3A_114, %add3A_113, %dma_start3A_118] : memref<4x8192x1024xf32, #tpu.memory_space<hbm>> -> memref<1x16x1024xf32, #tpu.memory_space<hbm>>
      %dma_start3A_120 = tpu.memref_squeeze %dma_start3A_119 : memref<1x16x1024xf32, #tpu.memory_space<hbm>> -> memref<16x1024xf32, #tpu.memory_space<hbm>>
      %dma_start3A_121 = arith.constant 32 : i32
      %dma_start3A_122 = arith.constant 0 : i32
      %dma_start3A_123 = tpu.memref_slice %arg5[%dma_start3A_121, %dma_start3A_122] : memref<64x1024xf32, #tpu.memory_space<vmem>> -> memref<16x1024xf32, #tpu.memory_space<vmem>>
      %dma_start3A_124 = arith.constant 0 : i32
      %dma_start3A_125 = tpu.memref_slice %arg2[%dma_start3A_114, %add3A_113, %dma_start3A_124] : memref<4x8192x1024xf32, #tpu.memory_space<hbm>> -> memref<1x16x1024xf32, #tpu.memory_space<hbm>>
      %dma_start3A_126 = tpu.memref_squeeze %dma_start3A_125 : memref<1x16x1024xf32, #tpu.memory_space<hbm>> -> memref<16x1024xf32, #tpu.memory_space<hbm>>
      tpu.enqueue_dma source(%dma_start3A_126 : memref<16x1024xf32, #tpu.memory_space<hbm>>) target(%dma_start3A_123 : memref<16x1024xf32, #tpu.memory_space<vmem>>) target_semaphore(%arg9 : memref<!tpu.dma_semaphore, #tpu.memory_space<semaphore_mem>>)
      %dma_wait3A_127 = arith.constant 0 : i32
      %dma_wait3A_128 = arith.constant 0 : i32
      %dma_wait3A_129 = arith.constant 0 : i32
      %dma_wait3A_130 = tpu.memref_slice %arg5[%dma_wait3A_128, %dma_wait3A_129] : memref<64x1024xf32, #tpu.memory_space<vmem>> -> memref<16x1024xf32, #tpu.memory_space<vmem>>
      %dma_wait3A_131 = arith.constant 0 : i32
      %dma_wait3A_132 = arith.constant 0 : i32
      %dma_wait3A_133 = tpu.memref_slice %arg2[%dma_wait3A_127, %dma_wait3A_131, %dma_wait3A_132] : memref<4x8192x1024xf32, #tpu.memory_space<hbm>> -> memref<1x16x1024xf32, #tpu.memory_space<hbm>>
      %dma_wait3A_134 = tpu.memref_squeeze %dma_wait3A_133 : memref<1x16x1024xf32, #tpu.memory_space<hbm>> -> memref<16x1024xf32, #tpu.memory_space<hbm>>
      %dma_wait3A_135 = arith.constant 0 : i32
      %dma_wait3A_136 = arith.constant 0 : i32
      %dma_wait3A_137 = tpu.memref_slice %arg5[%dma_wait3A_135, %dma_wait3A_136] : memref<64x1024xf32, #tpu.memory_space<vmem>> -> memref<16x1024xf32, #tpu.memory_space<vmem>>
      %dma_wait3A_138 = arith.constant 0 : i32
      %dma_wait3A_139 = arith.constant 0 : i32
      %dma_wait3A_140 = tpu.memref_slice %arg2[%dma_wait3A_127, %dma_wait3A_138, %dma_wait3A_139] : memref<4x8192x1024xf32, #tpu.memory_space<hbm>> -> memref<1x16x1024xf32, #tpu.memory_space<hbm>>
      %dma_wait3A_141 = tpu.memref_squeeze %dma_wait3A_140 : memref<1x16x1024xf32, #tpu.memory_space<hbm>> -> memref<16x1024xf32, #tpu.memory_space<hbm>>
      tpu.wait_dma2 semaphore(%arg7 : memref<!tpu.dma_semaphore, #tpu.memory_space<semaphore_mem>>) src(%dma_wait3A_141 : memref<16x1024xf32, #tpu.memory_space<hbm>>) dst(%dma_wait3A_137 : memref<16x1024xf32, #tpu.memory_space<vmem>>)
      %scan3A_142 = arith.constant 0 : i32
      %scan3A_143 = arith.constant 0 : i32
      %scan3A_144 = arith.constant 16 : i32
      %scan3A_145 = arith.addi %scan3A_143, %scan3A_144 : i32
      %scan3A_146 = arith.constant 1 : i32
      %scan3A_147 = scf.for %scan3A_341 = %scan3A_143 to %scan3A_145 step %scan3A_146 iter_args(%scan3A_342 = %scan3A_142) -> (i32)  : i32 {
        %add3A_343 = arith.constant 0 : i32
        %add3A_344 = arith.addi %add3A_343, %scan3A_341 : i32
        %add3A_345 = arith.addi %mul3A_103, %scan3A_341 : i32
        %parallel_loop3A = arith.constant 0 : i32
        %parallel_loop3A_346 = arith.constant 64 : i32
        %parallel_loop3A_347 = arith.constant 1 : i32
        scf.for %parallel_loop3A_349 = %parallel_loop3A to %parallel_loop3A_346 step %parallel_loop3A_347  : i32 {
          %parallel_loop3A_350 = arith.constant 16 : i32
          %parallel_loop3A_351 = arith.muli %parallel_loop3A_349, %parallel_loop3A_350 : i32
          %parallel_loop3A_352 = arith.constant 16 : i32
          %parallel_loop3A_353 = arith.muli %parallel_loop3A_349, %parallel_loop3A_352 : i32
          %parallel_loop3A_354 = arith.index_cast %add3A_345 : i32 to index
          %parallel_loop3A_355 = arith.index_cast %parallel_loop3A_353 : i32 to index
          %parallel_loop3A_356 = tpu.vector_load %arg6[%parallel_loop3A_354, %parallel_loop3A_355] {strides = array<i32>} : memref<32x1024xf32, #tpu.memory_space<vmem>>, vector<1x16xf32>,
          %parallel_loop3A_357 = vector.shape_cast %parallel_loop3A_356 : vector<1x16xf32> to vector<16xf32>
          %parallel_loop3A_358 = arith.index_cast %add3A_344 : i32 to index
          %parallel_loop3A_359 = arith.index_cast %parallel_loop3A_351 : i32 to index
          %parallel_loop3A_360 = tpu.vector_load %arg5[%parallel_loop3A_358, %parallel_loop3A_359] {strides = array<i32>} : memref<64x1024xf32, #tpu.memory_space<vmem>>, vector<1x16xf32>,
          %parallel_loop3A_361 = vector.shape_cast %parallel_loop3A_360 : vector<1x16xf32> to vector<16xf32>
          %parallel_loop3A_362 = vector.shape_cast %parallel_loop3A_357 : vector<16xf32> to vector<1x16xf32>
          tpu.vector_store %arg5[%parallel_loop3A_358, %parallel_loop3A_359], %parallel_loop3A_362 {add = true, strides = array<i32>} : memref<64x1024xf32, #tpu.memory_space<vmem>>, vector<1x16xf32>,
        } {sc.loop_unroll_factor = 8 : i64, sc.parallel_access}
        %scan3A_348 = arith.constant 0 : i32
        scf.yield %scan3A_348 : i32
      }
      %scan3A_148 = arith.constant 16 : i32
      %mul3A_149 = arith.constant 16 : i32
      %mul3A_150 = arith.muli %scan3A_79, %mul3A_149 : i32
      %add3A_151 = arith.addi %mul3A_2, %mul3A_150 : i32
      %dma_start3A_152 = arith.constant 0 : i32
      %dma_start3A_153 = arith.constant 0 : i32
      %dma_start3A_154 = arith.constant 0 : i32
      %dma_start3A_155 = tpu.memref_slice %arg5[%dma_start3A_153, %dma_start3A_154] : memref<64x1024xf32, #tpu.memory_space<vmem>> -> memref<16x1024xf32, #tpu.memory_space<vmem>>
      %dma_start3A_156 = arith.constant 0 : i32
      %dma_start3A_157 = tpu.memref_slice %arg4[%dma_start3A_152, %add3A_151, %dma_start3A_156] : memref<4x8192x1024xf32, #tpu.memory_space<hbm>> -> memref<1x16x1024xf32, #tpu.memory_space<hbm>>
      %dma_start3A_158 = tpu.memref_squeeze %dma_start3A_157 : memref<1x16x1024xf32, #tpu.memory_space<hbm>> -> memref<16x1024xf32, #tpu.memory_space<hbm>>
      %dma_start3A_159 = arith.constant 0 : i32
      %dma_start3A_160 = tpu.memref_slice %arg4[%dma_start3A_152, %add3A_151, %dma_start3A_159] : memref<4x8192x1024xf32, #tpu.memory_space<hbm>> -> memref<1x16x1024xf32, #tpu.memory_space<hbm>>
      %dma_start3A_161 = tpu.memref_squeeze %dma_start3A_160 : memref<1x16x1024xf32, #tpu.memory_space<hbm>> -> memref<16x1024xf32, #tpu.memory_space<hbm>>
      %dma_start3A_162 = arith.constant 0 : i32
      %dma_start3A_163 = arith.constant 0 : i32
      %dma_start3A_164 = tpu.memref_slice %arg5[%dma_start3A_162, %dma_start3A_163] : memref<64x1024xf32, #tpu.memory_space<vmem>> -> memref<16x1024xf32, #tpu.memory_space<vmem>>
      tpu.enqueue_dma source(%dma_start3A_164 : memref<16x1024xf32, #tpu.memory_space<vmem>>) target(%dma_start3A_161 : memref<16x1024xf32, #tpu.memory_space<hbm>>) target_semaphore(%arg11 : memref<!tpu.dma_semaphore, #tpu.memory_space<semaphore_mem>>)
      %gt3A_165 = arith.constant 0 : i32
      %gt3A_166 = arith.cmpi sgt, %scan3A_79, %gt3A_165 : i32
      %convert_element_type3A_167 = arith.extui %gt3A_166 : i1 to i32
      %cond3A_168 = arith.constant 0 : i32
      %cond3A_169 = arith.cmpi ne, %convert_element_type3A_167, %cond3A_168 : i32
      scf.if %cond3A_169 {
        %dma_wait3A_341 = arith.constant 0 : i32
        %dma_wait3A_342 = arith.constant 48 : i32
        %dma_wait3A_343 = arith.constant 0 : i32
        %dma_wait3A_344 = tpu.memref_slice %arg5[%dma_wait3A_342, %dma_wait3A_343] : memref<64x1024xf32, #tpu.memory_space<vmem>> -> memref<16x1024xf32, #tpu.memory_space<vmem>>
        %dma_wait3A_345 = arith.constant 0 : i32
        %dma_wait3A_346 = arith.constant 0 : i32
        %dma_wait3A_347 = tpu.memref_slice %arg4[%dma_wait3A_341, %dma_wait3A_345, %dma_wait3A_346] : memref<4x8192x1024xf32, #tpu.memory_space<hbm>> -> memref<1x16x1024xf32, #tpu.memory_space<hbm>>
        %dma_wait3A_348 = tpu.memref_squeeze %dma_wait3A_347 : memref<1x16x1024xf32, #tpu.memory_space<hbm>> -> memref<16x1024xf32, #tpu.memory_space<hbm>>
        %dma_wait3A_349 = arith.constant 0 : i32
        %dma_wait3A_350 = arith.constant 0 : i32
        %dma_wait3A_351 = tpu.memref_slice %arg4[%dma_wait3A_341, %dma_wait3A_349, %dma_wait3A_350] : memref<4x8192x1024xf32, #tpu.memory_space<hbm>> -> memref<1x16x1024xf32, #tpu.memory_space<hbm>>
        %dma_wait3A_352 = tpu.memref_squeeze %dma_wait3A_351 : memref<1x16x1024xf32, #tpu.memory_space<hbm>> -> memref<16x1024xf32, #tpu.memory_space<hbm>>
        %dma_wait3A_353 = arith.constant 48 : i32
        %dma_wait3A_354 = arith.constant 0 : i32
        %dma_wait3A_355 = tpu.memref_slice %arg5[%dma_wait3A_353, %dma_wait3A_354] : memref<64x1024xf32, #tpu.memory_space<vmem>> -> memref<16x1024xf32, #tpu.memory_space<vmem>>
        tpu.wait_dma2 semaphore(%arg14 : memref<!tpu.dma_semaphore, #tpu.memory_space<semaphore_mem>>) src(%dma_wait3A_355 : memref<16x1024xf32, #tpu.memory_space<vmem>>) dst(%dma_wait3A_352 : memref<16x1024xf32, #tpu.memory_space<hbm>>)
      } else {
      }
      %mul3A_170 = arith.constant 16 : i32
      %mul3A_171 = arith.muli %scan3A_79, %mul3A_170 : i32
      %add3A_172 = arith.addi %mul3A_2, %mul3A_171 : i32
      %dma_start3A_173 = arith.constant 3 : i32
      %dma_start3A_174 = arith.constant 48 : i32
      %dma_start3A_175 = arith.constant 0 : i32
      %dma_start3A_176 = tpu.memref_slice %arg5[%dma_start3A_174, %dma_start3A_175] : memref<64x1024xf32, #tpu.memory_space<vmem>> -> memref<16x1024xf32, #tpu.memory_space<vmem>>
      %dma_start3A_177 = arith.constant 0 : i32
      %dma_start3A_178 = tpu.memref_slice %arg2[%dma_start3A_173, %add3A_172, %dma_start3A_177] : memref<4x8192x1024xf32, #tpu.memory_space<hbm>> -> memref<1x16x1024xf32, #tpu.memory_space<hbm>>
      %dma_start3A_179 = tpu.memref_squeeze %dma_start3A_178 : memref<1x16x1024xf32, #tpu.memory_space<hbm>> -> memref<16x1024xf32, #tpu.memory_space<hbm>>
      %dma_start3A_180 = arith.constant 48 : i32
      %dma_start3A_181 = arith.constant 0 : i32
      %dma_start3A_182 = tpu.memref_slice %arg5[%dma_start3A_180, %dma_start3A_181] : memref<64x1024xf32, #tpu.memory_space<vmem>> -> memref<16x1024xf32, #tpu.memory_space<vmem>>
      %dma_start3A_183 = arith.constant 0 : i32
      %dma_start3A_184 = tpu.memref_slice %arg2[%dma_start3A_173, %add3A_172, %dma_start3A_183] : memref<4x8192x1024xf32, #tpu.memory_space<hbm>> -> memref<1x16x1024xf32, #tpu.memory_space<hbm>>
      %dma_start3A_185 = tpu.memref_squeeze %dma_start3A_184 : memref<1x16x1024xf32, #tpu.memory_space<hbm>> -> memref<16x1024xf32, #tpu.memory_space<hbm>>
      tpu.enqueue_dma source(%dma_start3A_185 : memref<16x1024xf32, #tpu.memory_space<hbm>>) target(%dma_start3A_182 : memref<16x1024xf32, #tpu.memory_space<vmem>>) target_semaphore(%arg10 : memref<!tpu.dma_semaphore, #tpu.memory_space<semaphore_mem>>)
      %dma_wait3A_186 = arith.constant 0 : i32
      %dma_wait3A_187 = arith.constant 16 : i32
      %dma_wait3A_188 = arith.constant 0 : i32
      %dma_wait3A_189 = tpu.memref_slice %arg5[%dma_wait3A_187, %dma_wait3A_188] : memref<64x1024xf32, #tpu.memory_space<vmem>> -> memref<16x1024xf32, #tpu.memory_space<vmem>>
      %dma_wait3A_190 = arith.constant 0 : i32
      %dma_wait3A_191 = arith.constant 0 : i32
      %dma_wait3A_192 = tpu.memref_slice %arg2[%dma_wait3A_186, %dma_wait3A_190, %dma_wait3A_191] : memref<4x8192x1024xf32, #tpu.memory_space<hbm>> -> memref<1x16x1024xf32, #tpu.memory_space<hbm>>
      %dma_wait3A_193 = tpu.memref_squeeze %dma_wait3A_192 : memref<1x16x1024xf32, #tpu.memory_space<hbm>> -> memref<16x1024xf32, #tpu.memory_space<hbm>>
      %dma_wait3A_194 = arith.constant 16 : i32
      %dma_wait3A_195 = arith.constant 0 : i32
      %dma_wait3A_196 = tpu.memref_slice %arg5[%dma_wait3A_194, %dma_wait3A_195] : memref<64x1024xf32, #tpu.memory_space<vmem>> -> memref<16x1024xf32, #tpu.memory_space<vmem>>
      %dma_wait3A_197 = arith.constant 0 : i32
      %dma_wait3A_198 = arith.constant 0 : i32
      %dma_wait3A_199 = tpu.memref_slice %arg2[%dma_wait3A_186, %dma_wait3A_197, %dma_wait3A_198] : memref<4x8192x1024xf32, #tpu.memory_space<hbm>> -> memref<1x16x1024xf32, #tpu.memory_space<hbm>>
      %dma_wait3A_200 = tpu.memref_squeeze %dma_wait3A_199 : memref<1x16x1024xf32, #tpu.memory_space<hbm>> -> memref<16x1024xf32, #tpu.memory_space<hbm>>
      tpu.wait_dma2 semaphore(%arg8 : memref<!tpu.dma_semaphore, #tpu.memory_space<semaphore_mem>>) src(%dma_wait3A_200 : memref<16x1024xf32, #tpu.memory_space<hbm>>) dst(%dma_wait3A_196 : memref<16x1024xf32, #tpu.memory_space<vmem>>)
      %scan3A_201 = arith.constant 0 : i32
      %scan3A_202 = arith.constant 0 : i32
      %scan3A_203 = arith.constant 16 : i32
      %scan3A_204 = arith.addi %scan3A_202, %scan3A_203 : i32
      %scan3A_205 = arith.constant 1 : i32
      %scan3A_206 = scf.for %scan3A_341 = %scan3A_202 to %scan3A_204 step %scan3A_205 iter_args(%scan3A_342 = %scan3A_201) -> (i32)  : i32 {
        %add3A_343 = arith.constant 16 : i32
        %add3A_344 = arith.addi %add3A_343, %scan3A_341 : i32
        %add3A_345 = arith.addi %mul3A_103, %scan3A_341 : i32
        %parallel_loop3A = arith.constant 0 : i32
        %parallel_loop3A_346 = arith.constant 64 : i32
        %parallel_loop3A_347 = arith.constant 1 : i32
        scf.for %parallel_loop3A_349 = %parallel_loop3A to %parallel_loop3A_346 step %parallel_loop3A_347  : i32 {
          %parallel_loop3A_350 = arith.constant 16 : i32
          %parallel_loop3A_351 = arith.muli %parallel_loop3A_349, %parallel_loop3A_350 : i32
          %parallel_loop3A_352 = arith.constant 16 : i32
          %parallel_loop3A_353 = arith.muli %parallel_loop3A_349, %parallel_loop3A_352 : i32
          %parallel_loop3A_354 = arith.index_cast %add3A_345 : i32 to index
          %parallel_loop3A_355 = arith.index_cast %parallel_loop3A_353 : i32 to index
          %parallel_loop3A_356 = tpu.vector_load %arg6[%parallel_loop3A_354, %parallel_loop3A_355] {strides = array<i32>} : memref<32x1024xf32, #tpu.memory_space<vmem>>, vector<1x16xf32>,
          %parallel_loop3A_357 = vector.shape_cast %parallel_loop3A_356 : vector<1x16xf32> to vector<16xf32>
          %parallel_loop3A_358 = arith.index_cast %add3A_344 : i32 to index
          %parallel_loop3A_359 = arith.index_cast %parallel_loop3A_351 : i32 to index
          %parallel_loop3A_360 = tpu.vector_load %arg5[%parallel_loop3A_358, %parallel_loop3A_359] {strides = array<i32>} : memref<64x1024xf32, #tpu.memory_space<vmem>>, vector<1x16xf32>,
          %parallel_loop3A_361 = vector.shape_cast %parallel_loop3A_360 : vector<1x16xf32> to vector<16xf32>
          %parallel_loop3A_362 = vector.shape_cast %parallel_loop3A_357 : vector<16xf32> to vector<1x16xf32>
          tpu.vector_store %arg5[%parallel_loop3A_358, %parallel_loop3A_359], %parallel_loop3A_362 {add = true, strides = array<i32>} : memref<64x1024xf32, #tpu.memory_space<vmem>>, vector<1x16xf32>,
        } {sc.loop_unroll_factor = 8 : i64, sc.parallel_access}
        %scan3A_348 = arith.constant 0 : i32
        scf.yield %scan3A_348 : i32
      }
      %scan3A_207 = arith.constant 16 : i32
      %mul3A_208 = arith.constant 16 : i32
      %mul3A_209 = arith.muli %scan3A_79, %mul3A_208 : i32
      %add3A_210 = arith.addi %mul3A_2, %mul3A_209 : i32
      %dma_start3A_211 = arith.constant 1 : i32
      %dma_start3A_212 = arith.constant 16 : i32
      %dma_start3A_213 = arith.constant 0 : i32
      %dma_start3A_214 = tpu.memref_slice %arg5[%dma_start3A_212, %dma_start3A_213] : memref<64x1024xf32, #tpu.memory_space<vmem>> -> memref<16x1024xf32, #tpu.memory_space<vmem>>
      %dma_start3A_215 = arith.constant 0 : i32
      %dma_start3A_216 = tpu.memref_slice %arg4[%dma_start3A_211, %add3A_210, %dma_start3A_215] : memref<4x8192x1024xf32, #tpu.memory_space<hbm>> -> memref<1x16x1024xf32, #tpu.memory_space<hbm>>
      %dma_start3A_217 = tpu.memref_squeeze %dma_start3A_216 : memref<1x16x1024xf32, #tpu.memory_space<hbm>> -> memref<16x1024xf32, #tpu.memory_space<hbm>>
      %dma_start3A_218 = arith.constant 0 : i32
      %dma_start3A_219 = tpu.memref_slice %arg4[%dma_start3A_211, %add3A_210, %dma_start3A_218] : memref<4x8192x1024xf32, #tpu.memory_space<hbm>> -> memref<1x16x1024xf32, #tpu.memory_space<hbm>>
      %dma_start3A_220 = tpu.memref_squeeze %dma_start3A_219 : memref<1x16x1024xf32, #tpu.memory_space<hbm>> -> memref<16x1024xf32, #tpu.memory_space<hbm>>
      %dma_start3A_221 = arith.constant 16 : i32
      %dma_start3A_222 = arith.constant 0 : i32
      %dma_start3A_223 = tpu.memref_slice %arg5[%dma_start3A_221, %dma_start3A_222] : memref<64x1024xf32, #tpu.memory_space<vmem>> -> memref<16x1024xf32, #tpu.memory_space<vmem>>
      tpu.enqueue_dma source(%dma_start3A_223 : memref<16x1024xf32, #tpu.memory_space<vmem>>) target(%dma_start3A_220 : memref<16x1024xf32, #tpu.memory_space<hbm>>) target_semaphore(%arg12 : memref<!tpu.dma_semaphore, #tpu.memory_space<semaphore_mem>>)
      %dma_wait3A_224 = arith.constant 0 : i32
      %dma_wait3A_225 = arith.constant 0 : i32
      %dma_wait3A_226 = arith.constant 0 : i32
      %dma_wait3A_227 = tpu.memref_slice %arg5[%dma_wait3A_225, %dma_wait3A_226] : memref<64x1024xf32, #tpu.memory_space<vmem>> -> memref<16x1024xf32, #tpu.memory_space<vmem>>
      %dma_wait3A_228 = arith.constant 0 : i32
      %dma_wait3A_229 = arith.constant 0 : i32
      %dma_wait3A_230 = tpu.memref_slice %arg4[%dma_wait3A_224, %dma_wait3A_228, %dma_wait3A_229] : memref<4x8192x1024xf32, #tpu.memory_space<hbm>> -> memref<1x16x1024xf32, #tpu.memory_space<hbm>>
      %dma_wait3A_231 = tpu.memref_squeeze %dma_wait3A_230 : memref<1x16x1024xf32, #tpu.memory_space<hbm>> -> memref<16x1024xf32, #tpu.memory_space<hbm>>
      %dma_wait3A_232 = arith.constant 0 : i32
      %dma_wait3A_233 = arith.constant 0 : i32
      %dma_wait3A_234 = tpu.memref_slice %arg4[%dma_wait3A_224, %dma_wait3A_232, %dma_wait3A_233] : memref<4x8192x1024xf32, #tpu.memory_space<hbm>> -> memref<1x16x1024xf32, #tpu.memory_space<hbm>>
      %dma_wait3A_235 = tpu.memref_squeeze %dma_wait3A_234 : memref<1x16x1024xf32, #tpu.memory_space<hbm>> -> memref<16x1024xf32, #tpu.memory_space<hbm>>
      %dma_wait3A_236 = arith.constant 0 : i32
      %dma_wait3A_237 = arith.constant 0 : i32
      %dma_wait3A_238 = tpu.memref_slice %arg5[%dma_wait3A_236, %dma_wait3A_237] : memref<64x1024xf32, #tpu.memory_space<vmem>> -> memref<16x1024xf32, #tpu.memory_space<vmem>>
      tpu.wait_dma2 semaphore(%arg11 : memref<!tpu.dma_semaphore, #tpu.memory_space<semaphore_mem>>) src(%dma_wait3A_238 : memref<16x1024xf32, #tpu.memory_space<vmem>>) dst(%dma_wait3A_235 : memref<16x1024xf32, #tpu.memory_space<hbm>>)
      %lt3A_239 = arith.constant 15 : i32
      %lt3A_240 = arith.cmpi slt, %scan3A_79, %lt3A_239 : i32
      %convert_element_type3A_241 = arith.extui %lt3A_240 : i1 to i32
      %cond3A_242 = arith.constant 0 : i32
      %cond3A_243 = arith.cmpi ne, %convert_element_type3A_241, %cond3A_242 : i32
      scf.if %cond3A_243 {
        %add3A_341 = arith.constant 1 : i32
        %add3A_342 = arith.addi %scan3A_79, %add3A_341 : i32
        %mul3A_343 = arith.constant 16 : i32
        %mul3A_344 = arith.muli %add3A_342, %mul3A_343 : i32
        %add3A_345 = arith.addi %mul3A_2, %mul3A_344 : i32
        %dma_start3A_346 = arith.constant 0 : i32
        %dma_start3A_347 = arith.constant 0 : i32
        %dma_start3A_348 = arith.constant 0 : i32
        %dma_start3A_349 = tpu.memref_slice %arg5[%dma_start3A_347, %dma_start3A_348] : memref<64x1024xf32, #tpu.memory_space<vmem>> -> memref<16x1024xf32, #tpu.memory_space<vmem>>
        %dma_start3A_350 = arith.constant 0 : i32
        %dma_start3A_351 = tpu.memref_slice %arg2[%dma_start3A_346, %add3A_345, %dma_start3A_350] : memref<4x8192x1024xf32, #tpu.memory_space<hbm>> -> memref<1x16x1024xf32, #tpu.memory_space<hbm>>
        %dma_start3A_352 = tpu.memref_squeeze %dma_start3A_351 : memref<1x16x1024xf32, #tpu.memory_space<hbm>> -> memref<16x1024xf32, #tpu.memory_space<hbm>>
        %dma_start3A_353 = arith.constant 0 : i32
        %dma_start3A_354 = arith.constant 0 : i32
        %dma_start3A_355 = tpu.memref_slice %arg5[%dma_start3A_353, %dma_start3A_354] : memref<64x1024xf32, #tpu.memory_space<vmem>> -> memref<16x1024xf32, #tpu.memory_space<vmem>>
        %dma_start3A_356 = arith.constant 0 : i32
        %dma_start3A_357 = tpu.memref_slice %arg2[%dma_start3A_346, %add3A_345, %dma_start3A_356] : memref<4x8192x1024xf32, #tpu.memory_space<hbm>> -> memref<1x16x1024xf32, #tpu.memory_space<hbm>>
        %dma_start3A_358 = tpu.memref_squeeze %dma_start3A_357 : memref<1x16x1024xf32, #tpu.memory_space<hbm>> -> memref<16x1024xf32, #tpu.memory_space<hbm>>
        tpu.enqueue_dma source(%dma_start3A_358 : memref<16x1024xf32, #tpu.memory_space<hbm>>) target(%dma_start3A_355 : memref<16x1024xf32, #tpu.memory_space<vmem>>) target_semaphore(%arg7 : memref<!tpu.dma_semaphore, #tpu.memory_space<semaphore_mem>>)
      } else {
      }
      %dma_wait3A_244 = arith.constant 0 : i32
      %dma_wait3A_245 = arith.constant 32 : i32
      %dma_wait3A_246 = arith.constant 0 : i32
      %dma_wait3A_247 = tpu.memref_slice %arg5[%dma_wait3A_245, %dma_wait3A_246] : memref<64x1024xf32, #tpu.memory_space<vmem>> -> memref<16x1024xf32, #tpu.memory_space<vmem>>
      %dma_wait3A_248 = arith.constant 0 : i32
      %dma_wait3A_249 = arith.constant 0 : i32
      %dma_wait3A_250 = tpu.memref_slice %arg2[%dma_wait3A_244, %dma_wait3A_248, %dma_wait3A_249] : memref<4x8192x1024xf32, #tpu.memory_space<hbm>> -> memref<1x16x1024xf32, #tpu.memory_space<hbm>>
      %dma_wait3A_251 = tpu.memref_squeeze %dma_wait3A_250 : memref<1x16x1024xf32, #tpu.memory_space<hbm>> -> memref<16x1024xf32, #tpu.memory_space<hbm>>
      %dma_wait3A_252 = arith.constant 32 : i32
      %dma_wait3A_253 = arith.constant 0 : i32
      %dma_wait3A_254 = tpu.memref_slice %arg5[%dma_wait3A_252, %dma_wait3A_253] : memref<64x1024xf32, #tpu.memory_space<vmem>> -> memref<16x1024xf32, #tpu.memory_space<vmem>>
      %dma_wait3A_255 = arith.constant 0 : i32
      %dma_wait3A_256 = arith.constant 0 : i32
      %dma_wait3A_257 = tpu.memref_slice %arg2[%dma_wait3A_244, %dma_wait3A_255, %dma_wait3A_256] : memref<4x8192x1024xf32, #tpu.memory_space<hbm>> -> memref<1x16x1024xf32, #tpu.memory_space<hbm>>
      %dma_wait3A_258 = tpu.memref_squeeze %dma_wait3A_257 : memref<1x16x1024xf32, #tpu.memory_space<hbm>> -> memref<16x1024xf32, #tpu.memory_space<hbm>>
      tpu.wait_dma2 semaphore(%arg9 : memref<!tpu.dma_semaphore, #tpu.memory_space<semaphore_mem>>) src(%dma_wait3A_258 : memref<16x1024xf32, #tpu.memory_space<hbm>>) dst(%dma_wait3A_254 : memref<16x1024xf32, #tpu.memory_space<vmem>>)
      %scan3A_259 = arith.constant 0 : i32
      %scan3A_260 = arith.constant 0 : i32
      %scan3A_261 = arith.constant 16 : i32
      %scan3A_262 = arith.addi %scan3A_260, %scan3A_261 : i32
      %scan3A_263 = arith.constant 1 : i32
      %scan3A_264 = scf.for %scan3A_341 = %scan3A_260 to %scan3A_262 step %scan3A_263 iter_args(%scan3A_342 = %scan3A_259) -> (i32)  : i32 {
        %add3A_343 = arith.constant 32 : i32
        %add3A_344 = arith.addi %add3A_343, %scan3A_341 : i32
        %add3A_345 = arith.addi %mul3A_103, %scan3A_341 : i32
        %parallel_loop3A = arith.constant 0 : i32
        %parallel_loop3A_346 = arith.constant 64 : i32
        %parallel_loop3A_347 = arith.constant 1 : i32
        scf.for %parallel_loop3A_349 = %parallel_loop3A to %parallel_loop3A_346 step %parallel_loop3A_347  : i32 {
          %parallel_loop3A_350 = arith.constant 16 : i32
          %parallel_loop3A_351 = arith.muli %parallel_loop3A_349, %parallel_loop3A_350 : i32
          %parallel_loop3A_352 = arith.constant 16 : i32
          %parallel_loop3A_353 = arith.muli %parallel_loop3A_349, %parallel_loop3A_352 : i32
          %parallel_loop3A_354 = arith.index_cast %add3A_345 : i32 to index
          %parallel_loop3A_355 = arith.index_cast %parallel_loop3A_353 : i32 to index
          %parallel_loop3A_356 = tpu.vector_load %arg6[%parallel_loop3A_354, %parallel_loop3A_355] {strides = array<i32>} : memref<32x1024xf32, #tpu.memory_space<vmem>>, vector<1x16xf32>,
          %parallel_loop3A_357 = vector.shape_cast %parallel_loop3A_356 : vector<1x16xf32> to vector<16xf32>
          %parallel_loop3A_358 = arith.index_cast %add3A_344 : i32 to index
          %parallel_loop3A_359 = arith.index_cast %parallel_loop3A_351 : i32 to index
          %parallel_loop3A_360 = tpu.vector_load %arg5[%parallel_loop3A_358, %parallel_loop3A_359] {strides = array<i32>} : memref<64x1024xf32, #tpu.memory_space<vmem>>, vector<1x16xf32>,
          %parallel_loop3A_361 = vector.shape_cast %parallel_loop3A_360 : vector<1x16xf32> to vector<16xf32>
          %parallel_loop3A_362 = vector.shape_cast %parallel_loop3A_357 : vector<16xf32> to vector<1x16xf32>
          tpu.vector_store %arg5[%parallel_loop3A_358, %parallel_loop3A_359], %parallel_loop3A_362 {add = true, strides = array<i32>} : memref<64x1024xf32, #tpu.memory_space<vmem>>, vector<1x16xf32>,
        } {sc.loop_unroll_factor = 8 : i64, sc.parallel_access}
        %scan3A_348 = arith.constant 0 : i32
        scf.yield %scan3A_348 : i32
      }
      %scan3A_265 = arith.constant 16 : i32
      %mul3A_266 = arith.constant 16 : i32
      %mul3A_267 = arith.muli %scan3A_79, %mul3A_266 : i32
      %add3A_268 = arith.addi %mul3A_2, %mul3A_267 : i32
      %dma_start3A_269 = arith.constant 2 : i32
      %dma_start3A_270 = arith.constant 32 : i32
      %dma_start3A_271 = arith.constant 0 : i32
      %dma_start3A_272 = tpu.memref_slice %arg5[%dma_start3A_270, %dma_start3A_271] : memref<64x1024xf32, #tpu.memory_space<vmem>> -> memref<16x1024xf32, #tpu.memory_space<vmem>>
      %dma_start3A_273 = arith.constant 0 : i32
      %dma_start3A_274 = tpu.memref_slice %arg4[%dma_start3A_269, %add3A_268, %dma_start3A_273] : memref<4x8192x1024xf32, #tpu.memory_space<hbm>> -> memref<1x16x1024xf32, #tpu.memory_space<hbm>>
      %dma_start3A_275 = tpu.memref_squeeze %dma_start3A_274 : memref<1x16x1024xf32, #tpu.memory_space<hbm>> -> memref<16x1024xf32, #tpu.memory_space<hbm>>
      %dma_start3A_276 = arith.constant 0 : i32
      %dma_start3A_277 = tpu.memref_slice %arg4[%dma_start3A_269, %add3A_268, %dma_start3A_276] : memref<4x8192x1024xf32, #tpu.memory_space<hbm>> -> memref<1x16x1024xf32, #tpu.memory_space<hbm>>
      %dma_start3A_278 = tpu.memref_squeeze %dma_start3A_277 : memref<1x16x1024xf32, #tpu.memory_space<hbm>> -> memref<16x1024xf32, #tpu.memory_space<hbm>>
      %dma_start3A_279 = arith.constant 32 : i32
      %dma_start3A_280 = arith.constant 0 : i32
      %dma_start3A_281 = tpu.memref_slice %arg5[%dma_start3A_279, %dma_start3A_280] : memref<64x1024xf32, #tpu.memory_space<vmem>> -> memref<16x1024xf32, #tpu.memory_space<vmem>>
      tpu.enqueue_dma source(%dma_start3A_281 : memref<16x1024xf32, #tpu.memory_space<vmem>>) target(%dma_start3A_278 : memref<16x1024xf32, #tpu.memory_space<hbm>>) target_semaphore(%arg13 : memref<!tpu.dma_semaphore, #tpu.memory_space<semaphore_mem>>)
      %dma_wait3A_282 = arith.constant 0 : i32
      %dma_wait3A_283 = arith.constant 16 : i32
      %dma_wait3A_284 = arith.constant 0 : i32
      %dma_wait3A_285 = tpu.memref_slice %arg5[%dma_wait3A_283, %dma_wait3A_284] : memref<64x1024xf32, #tpu.memory_space<vmem>> -> memref<16x1024xf32, #tpu.memory_space<vmem>>
      %dma_wait3A_286 = arith.constant 0 : i32
      %dma_wait3A_287 = arith.constant 0 : i32
      %dma_wait3A_288 = tpu.memref_slice %arg4[%dma_wait3A_282, %dma_wait3A_286, %dma_wait3A_287] : memref<4x8192x1024xf32, #tpu.memory_space<hbm>> -> memref<1x16x1024xf32, #tpu.memory_space<hbm>>
      %dma_wait3A_289 = tpu.memref_squeeze %dma_wait3A_288 : memref<1x16x1024xf32, #tpu.memory_space<hbm>> -> memref<16x1024xf32, #tpu.memory_space<hbm>>
      %dma_wait3A_290 = arith.constant 0 : i32
      %dma_wait3A_291 = arith.constant 0 : i32
      %dma_wait3A_292 = tpu.memref_slice %arg4[%dma_wait3A_282, %dma_wait3A_290, %dma_wait3A_291] : memref<4x8192x1024xf32, #tpu.memory_space<hbm>> -> memref<1x16x1024xf32, #tpu.memory_space<hbm>>
      %dma_wait3A_293 = tpu.memref_squeeze %dma_wait3A_292 : memref<1x16x1024xf32, #tpu.memory_space<hbm>> -> memref<16x1024xf32, #tpu.memory_space<hbm>>
      %dma_wait3A_294 = arith.constant 16 : i32
      %dma_wait3A_295 = arith.constant 0 : i32
      %dma_wait3A_296 = tpu.memref_slice %arg5[%dma_wait3A_294, %dma_wait3A_295] : memref<64x1024xf32, #tpu.memory_space<vmem>> -> memref<16x1024xf32, #tpu.memory_space<vmem>>
      tpu.wait_dma2 semaphore(%arg12 : memref<!tpu.dma_semaphore, #tpu.memory_space<semaphore_mem>>) src(%dma_wait3A_296 : memref<16x1024xf32, #tpu.memory_space<vmem>>) dst(%dma_wait3A_293 : memref<16x1024xf32, #tpu.memory_space<hbm>>)
      %lt3A_297 = arith.constant 15 : i32
      %lt3A_298 = arith.cmpi slt, %scan3A_79, %lt3A_297 : i32
      %convert_element_type3A_299 = arith.extui %lt3A_298 : i1 to i32
      %cond3A_300 = arith.constant 0 : i32
      %cond3A_301 = arith.cmpi ne, %convert_element_type3A_299, %cond3A_300 : i32
      scf.if %cond3A_301 {
        %add3A_341 = arith.constant 1 : i32
        %add3A_342 = arith.addi %scan3A_79, %add3A_341 : i32
        %mul3A_343 = arith.constant 16 : i32
        %mul3A_344 = arith.muli %add3A_342, %mul3A_343 : i32
        %add3A_345 = arith.addi %mul3A_2, %mul3A_344 : i32
        %dma_start3A_346 = arith.constant 1 : i32
        %dma_start3A_347 = arith.constant 16 : i32
        %dma_start3A_348 = arith.constant 0 : i32
        %dma_start3A_349 = tpu.memref_slice %arg5[%dma_start3A_347, %dma_start3A_348] : memref<64x1024xf32, #tpu.memory_space<vmem>> -> memref<16x1024xf32, #tpu.memory_space<vmem>>
        %dma_start3A_350 = arith.constant 0 : i32
        %dma_start3A_351 = tpu.memref_slice %arg2[%dma_start3A_346, %add3A_345, %dma_start3A_350] : memref<4x8192x1024xf32, #tpu.memory_space<hbm>> -> memref<1x16x1024xf32, #tpu.memory_space<hbm>>
        %dma_start3A_352 = tpu.memref_squeeze %dma_start3A_351 : memref<1x16x1024xf32, #tpu.memory_space<hbm>> -> memref<16x1024xf32, #tpu.memory_space<hbm>>
        %dma_start3A_353 = arith.constant 16 : i32
        %dma_start3A_354 = arith.constant 0 : i32
        %dma_start3A_355 = tpu.memref_slice %arg5[%dma_start3A_353, %dma_start3A_354] : memref<64x1024xf32, #tpu.memory_space<vmem>> -> memref<16x1024xf32, #tpu.memory_space<vmem>>
        %dma_start3A_356 = arith.constant 0 : i32
        %dma_start3A_357 = tpu.memref_slice %arg2[%dma_start3A_346, %add3A_345, %dma_start3A_356] : memref<4x8192x1024xf32, #tpu.memory_space<hbm>> -> memref<1x16x1024xf32, #tpu.memory_space<hbm>>
        %dma_start3A_358 = tpu.memref_squeeze %dma_start3A_357 : memref<1x16x1024xf32, #tpu.memory_space<hbm>> -> memref<16x1024xf32, #tpu.memory_space<hbm>>
        tpu.enqueue_dma source(%dma_start3A_358 : memref<16x1024xf32, #tpu.memory_space<hbm>>) target(%dma_start3A_355 : memref<16x1024xf32, #tpu.memory_space<vmem>>) target_semaphore(%arg8 : memref<!tpu.dma_semaphore, #tpu.memory_space<semaphore_mem>>)
      } else {
      }
      %dma_wait3A_302 = arith.constant 0 : i32
      %dma_wait3A_303 = arith.constant 48 : i32
      %dma_wait3A_304 = arith.constant 0 : i32
      %dma_wait3A_305 = tpu.memref_slice %arg5[%dma_wait3A_303, %dma_wait3A_304] : memref<64x1024xf32, #tpu.memory_space<vmem>> -> memref<16x1024xf32, #tpu.memory_space<vmem>>
      %dma_wait3A_306 = arith.constant 0 : i32
      %dma_wait3A_307 = arith.constant 0 : i32
      %dma_wait3A_308 = tpu.memref_slice %arg2[%dma_wait3A_302, %dma_wait3A_306, %dma_wait3A_307] : memref<4x8192x1024xf32, #tpu.memory_space<hbm>> -> memref<1x16x1024xf32, #tpu.memory_space<hbm>>
      %dma_wait3A_309 = tpu.memref_squeeze %dma_wait3A_308 : memref<1x16x1024xf32, #tpu.memory_space<hbm>> -> memref<16x1024xf32, #tpu.memory_space<hbm>>
      %dma_wait3A_310 = arith.constant 48 : i32
      %dma_wait3A_311 = arith.constant 0 : i32
      %dma_wait3A_312 = tpu.memref_slice %arg5[%dma_wait3A_310, %dma_wait3A_311] : memref<64x1024xf32, #tpu.memory_space<vmem>> -> memref<16x1024xf32, #tpu.memory_space<vmem>>
      %dma_wait3A_313 = arith.constant 0 : i32
      %dma_wait3A_314 = arith.constant 0 : i32
      %dma_wait3A_315 = tpu.memref_slice %arg2[%dma_wait3A_302, %dma_wait3A_313, %dma_wait3A_314] : memref<4x8192x1024xf32, #tpu.memory_space<hbm>> -> memref<1x16x1024xf32, #tpu.memory_space<hbm>>
      %dma_wait3A_316 = tpu.memref_squeeze %dma_wait3A_315 : memref<1x16x1024xf32, #tpu.memory_space<hbm>> -> memref<16x1024xf32, #tpu.memory_space<hbm>>
      tpu.wait_dma2 semaphore(%arg10 : memref<!tpu.dma_semaphore, #tpu.memory_space<semaphore_mem>>) src(%dma_wait3A_316 : memref<16x1024xf32, #tpu.memory_space<hbm>>) dst(%dma_wait3A_312 : memref<16x1024xf32, #tpu.memory_space<vmem>>)
      %scan3A_317 = arith.constant 0 : i32
      %scan3A_318 = arith.constant 0 : i32
      %scan3A_319 = arith.constant 16 : i32
      %scan3A_320 = arith.addi %scan3A_318, %scan3A_319 : i32
      %scan3A_321 = arith.constant 1 : i32
      %scan3A_322 = scf.for %scan3A_341 = %scan3A_318 to %scan3A_320 step %scan3A_321 iter_args(%scan3A_342 = %scan3A_317) -> (i32)  : i32 {
        %add3A_343 = arith.constant 48 : i32
        %add3A_344 = arith.addi %add3A_343, %scan3A_341 : i32
        %add3A_345 = arith.addi %mul3A_103, %scan3A_341 : i32
        %parallel_loop3A = arith.constant 0 : i32
        %parallel_loop3A_346 = arith.constant 64 : i32
        %parallel_loop3A_347 = arith.constant 1 : i32
        scf.for %parallel_loop3A_349 = %parallel_loop3A to %parallel_loop3A_346 step %parallel_loop3A_347  : i32 {
          %parallel_loop3A_350 = arith.constant 16 : i32
          %parallel_loop3A_351 = arith.muli %parallel_loop3A_349, %parallel_loop3A_350 : i32
          %parallel_loop3A_352 = arith.constant 16 : i32
          %parallel_loop3A_353 = arith.muli %parallel_loop3A_349, %parallel_loop3A_352 : i32
          %parallel_loop3A_354 = arith.index_cast %add3A_345 : i32 to index
          %parallel_loop3A_355 = arith.index_cast %parallel_loop3A_353 : i32 to index
          %parallel_loop3A_356 = tpu.vector_load %arg6[%parallel_loop3A_354, %parallel_loop3A_355] {strides = array<i32>} : memref<32x1024xf32, #tpu.memory_space<vmem>>, vector<1x16xf32>,
          %parallel_loop3A_357 = vector.shape_cast %parallel_loop3A_356 : vector<1x16xf32> to vector<16xf32>
          %parallel_loop3A_358 = arith.index_cast %add3A_344 : i32 to index
          %parallel_loop3A_359 = arith.index_cast %parallel_loop3A_351 : i32 to index
          %parallel_loop3A_360 = tpu.vector_load %arg5[%parallel_loop3A_358, %parallel_loop3A_359] {strides = array<i32>} : memref<64x1024xf32, #tpu.memory_space<vmem>>, vector<1x16xf32>,
          %parallel_loop3A_361 = vector.shape_cast %parallel_loop3A_360 : vector<1x16xf32> to vector<16xf32>
          %parallel_loop3A_362 = vector.shape_cast %parallel_loop3A_357 : vector<16xf32> to vector<1x16xf32>
          tpu.vector_store %arg5[%parallel_loop3A_358, %parallel_loop3A_359], %parallel_loop3A_362 {add = true, strides = array<i32>} : memref<64x1024xf32, #tpu.memory_space<vmem>>, vector<1x16xf32>,
        } {sc.loop_unroll_factor = 8 : i64, sc.parallel_access}
        %scan3A_348 = arith.constant 0 : i32
        scf.yield %scan3A_348 : i32
      }
      %scan3A_323 = arith.constant 16 : i32
      %mul3A_324 = arith.constant 16 : i32
      %mul3A_325 = arith.muli %scan3A_79, %mul3A_324 : i32
      %add3A_326 = arith.addi %mul3A_2, %mul3A_325 : i32
      %dma_start3A_327 = arith.constant 3 : i32
      %dma_start3A_328 = arith.constant 48 : i32
      %dma_start3A_329 = arith.constant 0 : i32
      %dma_start3A_330 = tpu.memref_slice %arg5[%dma_start3A_328, %dma_start3A_329] : memref<64x1024xf32, #tpu.memory_space<vmem>> -> memref<16x1024xf32, #tpu.memory_space<vmem>>
      %dma_start3A_331 = arith.constant 0 : i32
      %dma_start3A_332 = tpu.memref_slice %arg4[%dma_start3A_327, %add3A_326, %dma_start3A_331] : memref<4x8192x1024xf32, #tpu.memory_space<hbm>> -> memref<1x16x1024xf32, #tpu.memory_space<hbm>>
      %dma_start3A_333 = tpu.memref_squeeze %dma_start3A_332 : memref<1x16x1024xf32, #tpu.memory_space<hbm>> -> memref<16x1024xf32, #tpu.memory_space<hbm>>
      %dma_start3A_334 = arith.constant 0 : i32
      %dma_start3A_335 = tpu.memref_slice %arg4[%dma_start3A_327, %add3A_326, %dma_start3A_334] : memref<4x8192x1024xf32, #tpu.memory_space<hbm>> -> memref<1x16x1024xf32, #tpu.memory_space<hbm>>
      %dma_start3A_336 = tpu.memref_squeeze %dma_start3A_335 : memref<1x16x1024xf32, #tpu.memory_space<hbm>> -> memref<16x1024xf32, #tpu.memory_space<hbm>>
      %dma_start3A_337 = arith.constant 48 : i32
      %dma_start3A_338 = arith.constant 0 : i32
      %dma_start3A_339 = tpu.memref_slice %arg5[%dma_start3A_337, %dma_start3A_338] : memref<64x1024xf32, #tpu.memory_space<vmem>> -> memref<16x1024xf32, #tpu.memory_space<vmem>>
      tpu.enqueue_dma source(%dma_start3A_339 : memref<16x1024xf32, #tpu.memory_space<vmem>>) target(%dma_start3A_336 : memref<16x1024xf32, #tpu.memory_space<hbm>>) target_semaphore(%arg14 : memref<!tpu.dma_semaphore, #tpu.memory_space<semaphore_mem>>)
      %scan3A_340 = arith.constant 0 : i32
      scf.yield %scan3A_340 : i32
    }
    %scan3A_49 = arith.constant 16 : i32
    %dma_wait3A = arith.constant 0 : i32
    %dma_wait3A_50 = arith.constant 32 : i32
    %dma_wait3A_51 = arith.constant 0 : i32
    %dma_wait3A_52 = tpu.memref_slice %arg5[%dma_wait3A_50, %dma_wait3A_51] : memref<64x1024xf32, #tpu.memory_space<vmem>> -> memref<16x1024xf32, #tpu.memory_space<vmem>>
    %dma_wait3A_53 = arith.constant 0 : i32
    %dma_wait3A_54 = arith.constant 0 : i32
    %dma_wait3A_55 = tpu.memref_slice %arg4[%dma_wait3A, %dma_wait3A_53, %dma_wait3A_54] : memref<4x8192x1024xf32, #tpu.memory_space<hbm>> -> memref<1x16x1024xf32, #tpu.memory_space<hbm>>
    %dma_wait3A_56 = tpu.memref_squeeze %dma_wait3A_55 : memref<1x16x1024xf32, #tpu.memory_space<hbm>> -> memref<16x1024xf32, #tpu.memory_space<hbm>>
    %dma_wait3A_57 = arith.constant 0 : i32
    %dma_wait3A_58 = arith.constant 0 : i32
    %dma_wait3A_59 = tpu.memref_slice %arg4[%dma_wait3A, %dma_wait3A_57, %dma_wait3A_58] : memref<4x8192x1024xf32, #tpu.memory_space<hbm>> -> memref<1x16x1024xf32, #tpu.memory_space<hbm>>
    %dma_wait3A_60 = tpu.memref_squeeze %dma_wait3A_59 : memref<1x16x1024xf32, #tpu.memory_space<hbm>> -> memref<16x1024xf32, #tpu.memory_space<hbm>>
    %dma_wait3A_61 = arith.constant 32 : i32
    %dma_wait3A_62 = arith.constant 0 : i32
    %dma_wait3A_63 = tpu.memref_slice %arg5[%dma_wait3A_61, %dma_wait3A_62] : memref<64x1024xf32, #tpu.memory_space<vmem>> -> memref<16x1024xf32, #tpu.memory_space<vmem>>
    tpu.wait_dma2 semaphore(%arg13 : memref<!tpu.dma_semaphore, #tpu.memory_space<semaphore_mem>>) src(%dma_wait3A_63 : memref<16x1024xf32, #tpu.memory_space<vmem>>) dst(%dma_wait3A_60 : memref<16x1024xf32, #tpu.memory_space<hbm>>)
    %dma_wait3A_64 = arith.constant 0 : i32
    %dma_wait3A_65 = arith.constant 48 : i32
    %dma_wait3A_66 = arith.constant 0 : i32
    %dma_wait3A_67 = tpu.memref_slice %arg5[%dma_wait3A_65, %dma_wait3A_66] : memref<64x1024xf32, #tpu.memory_space<vmem>> -> memref<16x1024xf32, #tpu.memory_space<vmem>>
    %dma_wait3A_68 = arith.constant 0 : i32
    %dma_wait3A_69 = arith.constant 0 : i32
    %dma_wait3A_70 = tpu.memref_slice %arg4[%dma_wait3A_64, %dma_wait3A_68, %dma_wait3A_69] : memref<4x8192x1024xf32, #tpu.memory_space<hbm>> -> memref<1x16x1024xf32, #tpu.memory_space<hbm>>
    %dma_wait3A_71 = tpu.memref_squeeze %dma_wait3A_70 : memref<1x16x1024xf32, #tpu.memory_space<hbm>> -> memref<16x1024xf32, #tpu.memory_space<hbm>>
    %dma_wait3A_72 = arith.constant 0 : i32
    %dma_wait3A_73 = arith.constant 0 : i32
    %dma_wait3A_74 = tpu.memref_slice %arg4[%dma_wait3A_64, %dma_wait3A_72, %dma_wait3A_73] : memref<4x8192x1024xf32, #tpu.memory_space<hbm>> -> memref<1x16x1024xf32, #tpu.memory_space<hbm>>
    %dma_wait3A_75 = tpu.memref_squeeze %dma_wait3A_74 : memref<1x16x1024xf32, #tpu.memory_space<hbm>> -> memref<16x1024xf32, #tpu.memory_space<hbm>>
    %dma_wait3A_76 = arith.constant 48 : i32
    %dma_wait3A_77 = arith.constant 0 : i32
    %dma_wait3A_78 = tpu.memref_slice %arg5[%dma_wait3A_76, %dma_wait3A_77] : memref<64x1024xf32, #tpu.memory_space<vmem>> -> memref<16x1024xf32, #tpu.memory_space<vmem>>
    tpu.wait_dma2 semaphore(%arg14 : memref<!tpu.dma_semaphore, #tpu.memory_space<semaphore_mem>>) src(%dma_wait3A_78 : memref<16x1024xf32, #tpu.memory_space<vmem>>) dst(%dma_wait3A_75 : memref<16x1024xf32, #tpu.memory_space<hbm>>)
    return
  }
}

</mosaic_0001>

<sc_bundles>
// kernel: kernel.3.cloned.1.call-start
scs
__scs_entry_jumppad:
0x0: {  	(pc) =	sbr.rel $0x88, $3  }
0x1: {  	(tag) =	ssettag $0x0;
	lr =	simm.s32 $0x1  }
0x2: {  	[smem:$0x3F9F] =	sst lr;
	_ =	strace $0xD0000000  }
0x3: {  	_ = 	snop  }
0x4: {  	_ = 	snop  }
0x5: {  	_ = 	snop  }
0x6: {  	_ = 	snop  }
0x7: {  	_ = 	snop  }
__scs_overlays_trampoline_lowered:
0x8: {  	[smem:$0x3FAE] =	sst s0  }
0x9: {  	[smem:$0x3FAF] =	sst s1  }
0xa: {  	[smem:$0x3FB0] =	sst s2  }
0xb: {  	[smem:$0x3FB1] =	sst s3  }
0xc: {  	[smem:$0x3FB2] =	sst s4  }
0xd: {  	[smem:$0x3FB3] =	sst s5  }
0xe: {  	[smem:$0x3FB4] =	sst s6  }
0xf: {  	[smem:$0x3FB5] =	sst s7  }
0x10: {  	[smem:$0x3FB6] =	sst s8  }
0x11: {  	[smem:$0x3FB7] =	sst s9;
	s0 =	simm.s32 @!p0 $0x0  }
0x12: {  	s1 =	sld [smem:$0x3F9D];
	s0 =	simm.s32 @p0 $0x1  }
0x13: {  	[smem:$0x3FB8] =	sst s0;
	s0 =	simm.s32 @!p1 $0x0  }
0x14: {  	s2 =	sld [smem:$0x3F9C];
	s0 =	simm.s32 @p1 $0x1  }
0x15: {  	[smem:$0x3FB9] =	sst s0;
	s0 =	simm.s32 @!p2 $0x0  }
0x16: {  	s3 =	sld [smem:$0x3FDB];
	s0 =	simm.s32 @p2 $0x1  }
0x17: {  	s4 =	simm.s32 $0x1BF5;
	[smem:$0x3FBB] =	sst s0  }
0x18: {  	s0 =	sld [smem:$0x3F9E];
	_ =	swait.ge [sflag:s4], $0x0  }
0x19: {  	s7 =	sld [smem:$0x3F9F]  }
0x1a: {  	s8 =	sadd.s32 $0xFFFFE003, lr  }
0x1b: {  	s9 =	sadd.s32 $0xFFFFFEF7, lr;
	s5 =	simm.s32 $0xFFFFFFFF;
	p2 =	slt.u32 s8, $0xFFFFF086  }
0x1c: {  	p1 =	slt.u32 s9, $0xF7A;
	s5 =	simm.s32 @!p2 $0x0  }
0x1d: {  	s5 =	simm.s32 @p1 $0x1;
	p0 =	seq.s32 s7, s2  }
0x1e: {  	s7 =	smul.u32 @!p0 $0xF7A, s2;
	p2 =	seq.s32 @!p0 s5, $0x0  }
0x1f: {  	s9 =	smul.u32 $0xF7A, s1;
	s8 =	simm.s32 @!p0 $0x1BF5;
	p2 =	por !p2, p0  }
0x20: {  	[sflag:s8] =	ssyncset.s32 @!p0 $0xFFFFF086;
	s6 =	sadd.s32 @!p0 s3, s7;
	s7 =	simm.s32 @!p0 $0x108  }
0x21: {  	s3 =	sadd.s32 s3, s9;
	s6 =	sadd.s32 @!p0 $0x88, s6;
	s7 =	simm.s32 @p2 $0x1082  }
0x22: {  	[simem:s7], [sflag:s8] =	dma.local @!p0 [hbm:s6], $0xF7A  }
0x23: {  	s9 =	sor.u32 $0xD0000000, s2;
	s6 =	simm.s32 $0x108;
	_ =	swait.ge @!p0 [sflag:s8], $0x0  }
0x24: {  	s3 =	sadd.s32 $0x88, s3;
	s6 =	simm.s32 @!p1 $0x1082;
	[sflag:s4] =	ssyncset.s32 $0xFFFFF086  }
0x25: {  	[simem:s6], [sflag:s4] =	dma.local [hbm:s3], $0xF7A  }
0x26: {  	[smem:$0x3F9F] =	sst s1;
	(tag) =	ssettag s2;
	_ =	strace s9  }
0x27: {  	s1 =	sld [smem:$0x3FAF]  }
0x28: {  	s2 =	sld [smem:$0x3FB0]  }
0x29: {  	s4 =	sld [smem:$0x3FB2]  }
0x2a: {  	p0 =	seq.s32 s5, $0x0;
	s5 =	sld [smem:$0x3FB3]  }
0x2b: {  	s6 =	sld [smem:$0x3FB4]  }
0x2c: {  	s7 =	sld [smem:$0x3FB5]  }
0x2d: {  	s3 =	simm.s32 $0x108;
	s8 =	sld [smem:$0x3FB6]  }
0x2e: {  	s3 =	simm.s32 @!p0 $0x1082;
	s9 =	sld [smem:$0x3FB7]  }
0x2f: {  	lr =	sadd.s32 s0, s3;
	s0 =	sld [smem:$0x3FAE]  }
0x30: {  	s3 =	sld [smem:$0x3FB1]  }
0x31: {  	[smem:$0x3FBA] =	sst s10  }
0x32: {  	s10 =	sld [smem:$0x3FB8];
	_ =	sdelay $0x3  }
0x33: {  	p0 =	seq.s32 s10, $0x1;
	s10 =	sld [smem:$0x3FBA];
	_ =	sdelay $0x3  }
0x34: {  	[smem:$0x3FBA] =	sst s10  }
0x35: {  	s10 =	sld [smem:$0x3FB9];
	_ =	sdelay $0x3  }
0x36: {  	p1 =	seq.s32 s10, $0x1;
	s10 =	sld [smem:$0x3FBA];
	_ =	sdelay $0x3  }
0x37: {  	[smem:$0x3FBA] =	sst s10  }
0x38: {  	s10 =	sld [smem:$0x3FBB]  }
0x39: {  	_ = 	snop;
	(pc) =	sbr.ind lr, $3  }
0x3a: {  	_ = 	snop  }
0x3b: {  	_ = 	snop  }
0x3c: {  	p2 =	seq.s32 s10, $0x1;
	s10 =	sld [smem:$0x3FBA]  }
0x3d: {  	_ =	shalt  }
0x3e: {  	_ =	shalt  }
0x3f: {  	_ =	shalt  }
0x40: {  	_ =	shalt  }
0x41: {  	_ =	shalt  }
0x42: {  	_ =	shalt  }
0x43: {  	_ =	shalt  }
0x44: {  	_ =	shalt  }
0x45: {  	_ =	shalt  }
0x46: {  	_ =	shalt  }
0x47: {  	_ =	shalt  }
0x48: {  	_ =	shalt  }
0x49: {  	_ =	shalt  }
0x4a: {  	_ =	shalt  }
0x4b: {  	_ =	shalt  }
0x4c: {  	_ =	shalt  }
0x4d: {  	_ =	shalt  }
0x4e: {  	_ =	shalt  }
0x4f: {  	_ =	shalt  }
0x50: {  	_ =	shalt  }
0x51: {  	_ =	shalt  }
0x52: {  	_ =	shalt  }
0x53: {  	_ =	shalt  }
0x54: {  	_ =	shalt  }
0x55: {  	_ =	shalt  }
0x56: {  	_ =	shalt  }
0x57: {  	_ =	shalt  }
0x58: {  	_ =	shalt  }
0x59: {  	_ =	shalt  }
0x5a: {  	_ =	shalt  }
0x5b: {  	_ =	shalt  }
0x5c: {  	_ =	shalt  }
0x5d: {  	_ =	shalt  }
0x5e: {  	_ =	shalt  }
0x5f: {  	_ =	shalt  }
0x60: {  	_ =	shalt  }
0x61: {  	_ =	shalt  }
0x62: {  	_ =	shalt  }
0x63: {  	_ =	shalt  }
0x64: {  	_ =	shalt  }
0x65: {  	_ =	shalt  }
0x66: {  	_ =	shalt  }
0x67: {  	_ =	shalt  }
0x68: {  	_ =	shalt  }
0x69: {  	_ =	shalt  }
0x6a: {  	_ =	shalt  }
0x6b: {  	_ =	shalt  }
0x6c: {  	_ =	shalt  }
0x6d: {  	_ =	shalt  }
0x6e: {  	_ =	shalt  }
0x6f: {  	_ =	shalt  }
0x70: {  	_ =	shalt  }
0x71: {  	_ =	shalt  }
0x72: {  	_ =	shalt  }
0x73: {  	_ =	shalt  }
0x74: {  	_ =	shalt  }
0x75: {  	_ =	shalt  }
0x76: {  	_ =	shalt  }
0x77: {  	_ =	shalt  }
0x78: {  	_ =	shalt  }
0x79: {  	_ =	shalt  }
0x7a: {  	_ =	shalt  }
0x7b: {  	_ =	shalt  }
0x7c: {  	_ =	shalt  }
0x7d: {  	_ =	shalt  }
0x7e: {  	_ =	shalt  }
0x7f: {  	_ =	shalt  }
0x80: {  	_ =	shalt  }
0x81: {  	_ =	shalt  }
0x82: {  	_ =	shalt  }
0x83: {  	_ =	shalt  }
0x84: {  	_ =	shalt  }
0x85: {  	_ =	shalt  }
0x86: {  	_ =	shalt  }
0x87: {  	_ =	shalt  }
.Lfunc_end0:
.L_simem_size_0:
called_computation_lowered:
.L_overlay_start_0:
0x88: {  	s2 =	sld [smem:$0x3FD9]  }
0x89: {  	s3 =	sld [smem:$0x3FFE];
	_ =	sdelay $0x1  }
0x8a: {  	s1 =	srdreg.scid  }
0x8b: {  	s0 =	sand.u32 $0x1, s1  }
0x8c: {  	s18 =	sshll.u32 s0, $0xA;
	s2 =	sadd.s32 s3, s2  }
0x8d: {  	s2 =	sadd.s32 s2, s18  }
0x8e: {  	[smem:$0x3FC6] =	sst s2  }
0x8f: {  	_ = 	snop  }
0x90: {  	s2 =	sld [smem:$0x3FC9]  }
0x91: {  	s19 =	sld [smem:$0x3FC8]  }
0x92: {  	s4 =	sld [smem:$0x3FD0];
	(tm) =	ssettm $0x1  }
0x93: {  	s5 =	sld [smem:$0x3FFB];
	_ =	sdelay $0x3  }
0x94: {  	_ =	strace s5  }
0x95: {  	s5 =	sld [smem:$0x3FFC];
	_ =	sdelay $0x3  }
0x96: {  	_ =	strace s5  }
0x97: {  	s5 =	sld [smem:$0x3FFD];
	_ =	sdelay $0x3  }
0x98: {  	_ =	strace s5  }
0x99: {  	_ =	strace $0x8FFFFFFF  }
0x9a: {  	s20 =	sld [smem:$0x3FDB];
	_ =	sdelay $0x1  }
0x9b: {  	s6 =	simm.s32 $_scs_section_size  }
0x9c: {  	s7 =	simm.s32 $_size__tile_overlayer_lowered;
	s8 =	simm.s32 $_tile_overlayer_lowered  }
0x9d: {  	s23 =	simm.s32 $0x1BFF;
	s22 =	sshll.u32 s8, $0x1;
	s5 =	sadd.s32 s6, s20  }
0x9e: {  	s9 =	simm.s32 $0x0;
	s21 =	sshll.u32 s7, $0x1;
	s7 =	sadd.s32 s22, s5  }
0x9f: {  	[timem:s9], [sflag:s23] =	dma.local [hbm:s7], s21  }
0xa0: {  	_ =	swait.ge [sflag:s23], s21  }
0xa1: {  	s6 =	ssub.s32 $0x0, s21;
	[sflag:s23] =	ssyncset.done $0x0  }
0xa2: {  	[sflag:s23] =	ssyncadd.s32 s6;
	_ =	sdelay $0x1  }
0xa3: {  	s24 =	simm.s32 $0x1B8B  }
0xa4: {  	_ =	swait.ge [sflag:s24], $0x1  }
0xa5: {  	[sflag:s24] =	ssyncset.done $0x0  }
0xa6: {  	s25 =	simm.s32 $0x1B8E;
	[sflag:s24] =	ssyncadd.s32 $0xFFFFFFFF  }
0xa7: {  	s26 =	simm.s32 $execute0_lowered;
	[smem:$0x3FD2] =	sst s25  }
0xa8: {  	s6 =	sshll.u32 s26, $0x1;
	_ =	strace $0x80000046;
	[dreg:$0x1] =	wrdreg $0xFFFFFFFF  }
0xa9: {  	s28 =	simm.s32 $_size_execute0_lowered;
	s5 =	sadd.s32 s5, s6;
	[dreg:$0x0] =	wrdreg $0x0  }
0xaa: {  	s6 =	sshll.u32 s28, $0x1;
	[dreg:$0x2] =	wrdreg s5  }
0xab: {  	[dreg:$0x3] =	wrdreg s6  }
0xac: {  	[dreg:$0x4] =	wrdreg $0xC0  }
0xad: {  	_ =	task [dreg:s9], $0x5FFFF  }
0xae: {  	[dreg:$0x1] =	wrdreg $0xFFFFFFFF  }
0xaf: {  	[dreg:$0x0] =	wrdreg $0x60  }
0xb0: {  	[dreg:$0x2] =	wrdreg s2  }
0xb1: {  	[dreg:$0x3] =	wrdreg s19  }
0xb2: {  	[dreg:$0x4] =	wrdreg s4  }
0xb3: {  	[dreg:$0x5] =	wrdreg $0x9  }
0xb4: {  	_ =	task.clear_ibuf [dreg:s9], $0x6FFFF;
	_ =	strace $0x90000046  }
0xb5: {  	s29 =	simm.s32 $0x9;
	_ =	strace $0x80000048  }
0xb6: {  	_ =	swait.ge [sflag:s29], $0x1  }
0xb7: {  	[sflag:s29] =	ssyncadd.s32 $0xFFFFFFFF  }
0xb8: {  	_ =	strace $0x90000048  }
0xb9: {  	_ =	sfence  }
0xba: {  	s30 =	sld [smem:$0x0];
	_ =	sdelay $0x2  }
0xbb: {  	s31 =	sshll.u32 s1, $0xD;
	s1 =	sshrl.u32 s1, $0x2  }
0xbc: {  	s3 =	sand.u32 $0x4000, s31;
	s1 =	sadd.s32 s1, s30  }
0xbd: {  	s0 =	sor.u32 s3, s0;
	s1 =	sshll.u32 s1, $0x11  }
0xbe: {  	s0 =	sor.u32 s1, s0  }
0xbf: {  	s0 =	sadd.s32 $0x8F2B, s0  }
0xc0: {  	[sflag:s0] =	ssyncadd.remote.s32 $0x1  }
0xc1: {  	_ =	sfence.sel $0xFFFF  }
0xc2: {  	[dreg:$0x0] =	wrdreg $0xFFFFFFFF;
	(pc) =	sbr.abs _section_cstart, $3  }
0xc3: {  	[dreg:$0x1] =	wrdreg $0xFFFFFFFF  }
0xc4: {  	_ =	task.clear_ibuf [dreg:s9], $0x2FFFF;
	_ =	strace $0x9FFFFFFF  }
0xc5: {  	(tm) =	ssettm $0x7FFFFFFF  }
tec
execute0_lowered:
.L_overlay_start_1:
0x0: {  	(tag) =	ssettag $0x1  }
0x1: {  	s1 =	rddreg [dreg:$0x0]  }
0x2: {  	s0 =	rddreg [dreg:$0x1]  }
0x3: {  	s3 =	rddreg [dreg:$0x2];
	s2 =	srdreg.scid;
	s4 =	simm.s32 $0x0  }
0x4: {  	s6 =	stileid.u32;
	s15 =	simm.s32 $0x9;
	s16 =	simm.s32 $0x8000  }
0x5: {  	s17 =	simm.s32 $0x1;
	s18 =	simm.s32 $0xC000;
	s19 =	simm.s32 $0x2  }
0x6: {  	s20 =	simm.s32 $0x5;
	s21 =	simm.s32 $0x3;
	s22 =	simm.s32 $0x6  }
0x7: {  	s23 =	simm.s32 $0x4;
	s24 =	simm.s32 $0x7;
	s2 =	sand.u32 $0x1, s2  }
0x8: {  	s6 =	sshll.u32 s6, $0x9;
	[smem:$0x7FF] =	sst s4;
	s28 =	sadd.s32 $0x100000, s1  }
0x9: {  	s29 =	sadd.s32 $0x100000, s3;
	s5 =	ssub.s32 $0x2, s2;
	s2 =	sshll.u32 s2, $0x8  }
0xa: {  	_ =	strace $0x80000047;
	[dreg:$0x6] =	wrdreg s29;
	s2 =	sor.u32 s2, s6  }
0xb: {  	s7 =	sshrl.u32 s5, $0x1;
	s25 =	sshll.u32 s2, $0x7;
	s30 =	sor.u32 $0x10, s2  }
0xc: {  	s5 =	ssub.s32 s5, s7;
	s26 =	sadd.s32 s1, s25;
	[dreg:$0x7] =	wrdreg s30  }
0xd: {  	s6 =	sadd.s32 s0, s25;
	s0 =	sadd.s32 s25, s28;
	[dreg:$0x4] =	wrdreg s26  }
0xe: {  	s11 =	smov.u32 s28;
	s31 =	smax.u32 s5, $0x1;
	[dreg:$0x5] =	wrdreg s0  }
0xf: {  	s10 =	smov.u32 s25;
	s5 =	simm.s32 $0x0;
	[dreg:$0x8] =	wrdreg s31  }
.LBB2_1:
0x10: {  	[dreg:$0x9] =	wrdreg s5  }
0x11: {  	s0 =	simm.s32 $0x10000;
	s30 =	rddreg [dreg:$0x4]  }
0x12: {  	[tilespmem:s0], [sflag:$0x9] =	stream.linear.gather [hbm4b:s6+s4], $0x4000, $0x38;
	[tilespmem:$0x18000] =	vst v63  }
0x13: {  	s31 =	rddreg [dreg:$0x5]  }
0x14: {  	[tilespmem:s4], [sflag:$0x1] =	stream.linear.gather [hbm4b:s30+s4], $0x4000, $0x38;
	[tilespmem:$0x18000] =	vst v63  }
0x15: {  	s2 =	simm.s32 $0x4000;
	s7 =	simm.s32 $0x0;
	s29 =	simm.s32 $0x0  }
0x16: {  	[tilespmem:s2], [sflag:$0x2] =	stream.linear.gather [hbm4b:s31+s4], $0x4000, $0x38;
	[tilespmem:$0x18000] =	vst v63  }
.LBB2_2:
0x17: {  	p0 =	seq.s32 s29, $0xF  }
0x18: {  	p1 =	seq.s32 @!p0 s29, $0x0  }
0x19: {  	p1 =	por p0, !p1  }
.Ltmp0:
0x1a: {  	_ =	swait.ge [sflag:s15], $0x4000;
	s0 =	sadd.s32 @!p0 $0x1, s29;
	(pc) =	sbr.rel @!p1 .LBB2_3-.Ltmp0, $4  }
0x1b: {  	[sflag:s15] =	ssyncset.done $0x0;
	s2 =	sshll.u32 @!p0 s0, $0xE  }
0x1c: {  	s5 =	simm.s32 @!p0 $0x0;
	s0 =	sshll.u32 @!p0 s0, $0xB;
	s2 =	sand.u32 @!p0 $0x4000, s2  }
0x1d: {  	[sflag:s15] =	ssyncadd.s32 $0xFFFFC000;
	s0 =	sadd.s32 @!p0 s0, s6;
	s2 =	sor.u32 @!p0 $0x10000, s2  }
0x1e: {  	[tilespmem:s2], [sflag:$0x9] =	stream.linear.gather @!p0 [hbm4b:s0+s5], $0x4000, $0x38;
	[tilespmem:$0x18000] =	vst v63  }
.Ltmp1:
0x1f: {  	(pc) =	sbr.rel .LBB2_5-.Ltmp1, $4  }
0x20: {  	_ = 	snop  }
0x21: {  	_ =	swait.ge [sflag:s24], $0x4000  }
0x22: {  	[sflag:s24] =	ssyncset.done $0x0  }
0x23: {  	p1 =	por $0x0, $0x0;
	[sflag:s24] =	ssyncadd.s32 $0xFFFFC000  }
.LBB2_3:
0x24: {  	p1 =	por @!p0 $0x1, $0x1  }
.LBB2_5:
0x25: {  	s0 =	sshll.u32 s29, $0xB  }
0x26: {  	s0 =	sadd.s32 s10, s0  }
0x27: {  	s30 =	sor.u32 $0x200000, s0  }
0x28: {  	s31 =	simm.s32 $0x0;
	s2 =	sadd.s32 s1, s30  }
0x29: {  	[tilespmem:s16], [sflag:$0x3] =	stream.linear.gather [hbm4b:s2+s31], $0x4000, $0x38;
	[tilespmem:$0x18000] =	vst v63  }
0x2a: {  	_ =	swait.ge [sflag:s17], $0x4000  }
0x2b: {  	s13 =	smov.u32 s7;
	s28 =	simm.s32 $0x0;
	[sflag:s17] =	ssyncset.done $0x0  }
0x2c: {  	s9 =	simm.s32 $0x0;
	s2 =	sshll.u32 s29, $0x4;
	[sflag:s17] =	ssyncadd.s32 $0xFFFFC000  }
.LBB2_6:
0x2d: {  	s5 =	sand.u32 $0x7, s28  }
0x2e: {  	s5 =	sshll.u32 s5, $0x9  }
0x2f: {  	s12 =	sshrl.u32 s5, $0x2  }
0x30: {  	v0 =	vmov s12;
	_ =	sdelay $0x2  }
0x31: {  	s26 =	sand.u32 $0x6000, s13  }
0x32: {  	s5 =	sor.u32 $0x10040, s26  }
0x33: {  	v1 =	vld.idx.msk [tilespmem:v0+s5+$0x30 ss:$0x1], $0xffff  }
0x34: {  	v2 =	vld.idx.msk [tilespmem:v0+s5+$0xFFFFFFD0 ss:$0x1], $0xffff  }
0x35: {  	v3 =	vld.idx.msk [tilespmem:v0+s5+$0xFFFFFFE0 ss:$0x1], $0xffff  }
0x36: {  	v4 =	vld.idx.msk [tilespmem:v0+s5+$0xFFFFFFF0 ss:$0x1], $0xffff  }
0x37: {  	v5 =	vld.idx.msk [tilespmem:v0+s5+$0x0 ss:$0x1], $0xffff  }
0x38: {  	s25 =	sand.u32 $0x3FFFE000, s31;
	v6 =	vld.idx.msk [tilespmem:v0+s5+$0x10 ss:$0x1], $0xffff  }
0x39: {  	s14 =	sadd.s32 s12, s25;
	v7 =	vld.idx.msk [tilespmem:v0+s5+$0xFFFFFFC0 ss:$0x1], $0xffff  }
0x3a: {  	[tilespmem:s14+$0x70] =	vst.add.f32.msk $0xffff, v1  }
0x3b: {  	v1 =	vld.idx.msk [tilespmem:v0+s5+$0x20 ss:$0x1], $0xffff  }
0x3c: {  	[tilespmem:s14+$0x10] =	vst.add.f32.msk $0xffff, v2  }
0x3d: {  	[tilespmem:s14+$0x20] =	vst.add.f32.msk $0xffff, v3  }
0x3e: {  	[tilespmem:s14+$0x30] =	vst.add.f32.msk $0xffff, v4  }
0x3f: {  	[tilespmem:s14+$0x40] =	vst.add.f32.msk $0xffff, v5  }
0x40: {  	[tilespmem:s14+$0x50] =	vst.add.f32.msk $0xffff, v6  }
0x41: {  	[tilespmem:s14+$0x0] =	vst.add.f32.msk $0xffff, v7  }
0x42: {  	s26 =	simm.s32 $0x0;
	[tilespmem:s14+$0x60] =	vst.add.f32.msk $0xffff, v1;
	s14 =	sadd.s32 $0x400, s5  }
.LBB2_7:
0x43: {  	v1 =	vld.idx.msk [tilespmem:v0+s14+$0x30 ss:$0x1], $0xffff;
	s26 =	sadd.s32 $0x8, s26  }
0x44: {  	v2 =	vld.idx.msk [tilespmem:v0+s14+$0xFFFFFFD0 ss:$0x1], $0xffff;
	p2 =	slt.u32 s26, $0x38  }
0x45: {  	v3 =	vld.idx.msk [tilespmem:v0+s14+$0xFFFFFFE0 ss:$0x1], $0xffff  }
0x46: {  	v4 =	vld.idx.msk [tilespmem:v0+s14+$0xFFFFFFF0 ss:$0x1], $0xffff  }
0x47: {  	s25 =	sadd.s32 $0x400, s25;
	v5 =	vld.idx.msk [tilespmem:v0+s14+$0x0 ss:$0x1], $0xffff  }
0x48: {  	s5 =	sadd.s32 s12, s25;
	v6 =	vld.idx.msk [tilespmem:v0+s14+$0x10 ss:$0x1], $0xffff  }
0x49: {  	[tilespmem:s5+$0x70] =	vst.add.f32.msk $0xffff, v1  }
0x4a: {  	v1 =	vld.idx.msk [tilespmem:v0+s14+$0x20 ss:$0x1], $0xffff  }
0x4b: {  	v7 =	vld.idx.msk [tilespmem:v0+s14+$0xFFFFFFC0 ss:$0x1], $0xffff  }
0x4c: {  	[tilespmem:s5+$0x10] =	vst.add.f32.msk $0xffff, v2  }
0x4d: {  	[tilespmem:s5+$0x20] =	vst.add.f32.msk $0xffff, v3  }
.Ltmp2:
0x4e: {  	[tilespmem:s5+$0x30] =	vst.add.f32.msk $0xffff, v4;
	(pc) =	sbr.rel @p2 .LBB2_7-.Ltmp2, $4  }
0x4f: {  	[tilespmem:s5+$0x40] =	vst.add.f32.msk $0xffff, v5  }
0x50: {  	[tilespmem:s5+$0x50] =	vst.add.f32.msk $0xffff, v6  }
0x51: {  	[tilespmem:s5+$0x0] =	vst.add.f32.msk $0xffff, v7  }
0x52: {  	s14 =	sadd.s32 $0x400, s14;
	[tilespmem:s5+$0x60] =	vst.add.f32.msk $0xffff, v1  }
0x53: {  	s9 =	sadd.s32 $0x1, s9  }
0x54: {  	p2 =	sne.s32 s9, $0x10  }
.Ltmp3:
0x55: {  	_ = 	snop;
	(pc) =	sbr.rel @p2 .LBB2_6-.Ltmp3, $2  }
0x56: {  	_ =	sdelay $0x2  }
0x57: {  	s28 =	sadd.s32 $0x1, s28;
	s31 =	sadd.s32 $0x400, s31;
	s13 =	sadd.s32 $0x400, s13  }
0x58: {  	s5 =	sadd.s32 s3, s0  }
0x59: {  	[hbm4b:s5+s4] =	stream.linear.scatter [tilespmem:s4], [sflag:$0x5], $0x4000, $0x38;
	[tilespmem:$0x18000] =	vst v63  }
0x5a: {  	s5 =	simm.s32 @!p1 $0x8  }
0x5b: {  	_ =	swait.ge @!p1 [sflag:s5], $0x4000  }
0x5c: {  	s31 =	sor.u32 $0x300000, s0;
	[sflag:s5] =	ssyncset.done @!p1 $0x0  }
0x5d: {  	s13 =	simm.s32 $0x0;
	s26 =	sadd.s32 s1, s31;
	[sflag:s5] =	ssyncadd.s32 @!p1 $0xFFFFC000  }
0x5e: {  	[tilespmem:s18], [sflag:$0x4] =	stream.linear.gather [hbm4b:s26+s13], $0x4000, $0x38;
	[tilespmem:$0x18000] =	vst v63  }
0x5f: {  	_ =	swait.ge [sflag:s19], $0x4000  }
0x60: {  	s28 =	smov.u32 s7;
	[sflag:s19] =	ssyncset.done $0x0  }
0x61: {  	s9 =	simm.s32 $0x0;
	s12 =	simm.s32 $0x0;
	[sflag:s19] =	ssyncadd.s32 $0xFFFFC000  }
.LBB2_10:
0x62: {  	s5 =	sand.u32 $0x7, s9  }
0x63: {  	s5 =	sshll.u32 s5, $0x9  }
0x64: {  	s25 =	sshrl.u32 s5, $0x2  }
0x65: {  	v0 =	vmov s25;
	_ =	sdelay $0x2  }
0x66: {  	s26 =	sand.u32 $0x6000, s28  }
0x67: {  	s5 =	sor.u32 $0x10040, s26  }
0x68: {  	v1 =	vld.idx.msk [tilespmem:v0+s5+$0x30 ss:$0x1], $0xffff  }
0x69: {  	v2 =	vld.idx.msk [tilespmem:v0+s5+$0xFFFFFFD0 ss:$0x1], $0xffff  }
0x6a: {  	v3 =	vld.idx.msk [tilespmem:v0+s5+$0xFFFFFFE0 ss:$0x1], $0xffff  }
0x6b: {  	v4 =	vld.idx.msk [tilespmem:v0+s5+$0xFFFFFFF0 ss:$0x1], $0xffff  }
0x6c: {  	v5 =	vld.idx.msk [tilespmem:v0+s5+$0x0 ss:$0x1], $0xffff  }
0x6d: {  	s26 =	sand.u32 $0x3FFFE000, s13;
	v6 =	vld.idx.msk [tilespmem:v0+s5+$0x10 ss:$0x1], $0xffff  }
0x6e: {  	s8 =	sadd.s32 s25, s26;
	v7 =	vld.idx.msk [tilespmem:v0+s5+$0xFFFFFFC0 ss:$0x1], $0xffff  }
0x6f: {  	[tilespmem:s8+$0x4070] =	vst.add.f32.msk $0xffff, v1  }
0x70: {  	v1 =	vld.idx.msk [tilespmem:v0+s5+$0x20 ss:$0x1], $0xffff  }
0x71: {  	[tilespmem:s8+$0x4010] =	vst.add.f32.msk $0xffff, v2  }
0x72: {  	[tilespmem:s8+$0x4020] =	vst.add.f32.msk $0xffff, v3  }
0x73: {  	[tilespmem:s8+$0x4030] =	vst.add.f32.msk $0xffff, v4  }
0x74: {  	[tilespmem:s8+$0x4040] =	vst.add.f32.msk $0xffff, v5  }
0x75: {  	[tilespmem:s8+$0x4050] =	vst.add.f32.msk $0xffff, v6  }
0x76: {  	[tilespmem:s8+$0x4000] =	vst.add.f32.msk $0xffff, v7  }
0x77: {  	s14 =	simm.s32 $0x0;
	s5 =	sadd.s32 $0x400, s5;
	[tilespmem:s8+$0x4060] =	vst.add.f32.msk $0xffff, v1  }
.LBB2_11:
0x78: {  	v1 =	vld.idx.msk [tilespmem:v0+s5+$0x30 ss:$0x1], $0xffff;
	s14 =	sadd.s32 $0x8, s14  }
0x79: {  	v2 =	vld.idx.msk [tilespmem:v0+s5+$0xFFFFFFD0 ss:$0x1], $0xffff;
	p1 =	slt.u32 s14, $0x38  }
0x7a: {  	v3 =	vld.idx.msk [tilespmem:v0+s5+$0xFFFFFFE0 ss:$0x1], $0xffff  }
0x7b: {  	v4 =	vld.idx.msk [tilespmem:v0+s5+$0xFFFFFFF0 ss:$0x1], $0xffff  }
0x7c: {  	s26 =	sadd.s32 $0x400, s26;
	v5 =	vld.idx.msk [tilespmem:v0+s5+$0x0 ss:$0x1], $0xffff  }
0x7d: {  	s8 =	sadd.s32 s25, s26;
	v6 =	vld.idx.msk [tilespmem:v0+s5+$0x10 ss:$0x1], $0xffff  }
0x7e: {  	[tilespmem:s8+$0x4070] =	vst.add.f32.msk $0xffff, v1  }
0x7f: {  	v1 =	vld.idx.msk [tilespmem:v0+s5+$0x20 ss:$0x1], $0xffff  }
0x80: {  	v7 =	vld.idx.msk [tilespmem:v0+s5+$0xFFFFFFC0 ss:$0x1], $0xffff  }
0x81: {  	[tilespmem:s8+$0x4010] =	vst.add.f32.msk $0xffff, v2  }
0x82: {  	[tilespmem:s8+$0x4020] =	vst.add.f32.msk $0xffff, v3  }
.Ltmp4:
0x83: {  	[tilespmem:s8+$0x4030] =	vst.add.f32.msk $0xffff, v4;
	(pc) =	sbr.rel @p1 .LBB2_11-.Ltmp4, $4  }
0x84: {  	[tilespmem:s8+$0x4040] =	vst.add.f32.msk $0xffff, v5  }
0x85: {  	[tilespmem:s8+$0x4050] =	vst.add.f32.msk $0xffff, v6  }
0x86: {  	[tilespmem:s8+$0x4000] =	vst.add.f32.msk $0xffff, v7  }
0x87: {  	s5 =	sadd.s32 $0x400, s5;
	[tilespmem:s8+$0x4060] =	vst.add.f32.msk $0xffff, v1  }
0x88: {  	s12 =	sadd.s32 $0x1, s12  }
0x89: {  	p1 =	sne.s32 s12, $0x10  }
.Ltmp5:
0x8a: {  	_ = 	snop;
	(pc) =	sbr.rel @p1 .LBB2_10-.Ltmp5, $2  }
0x8b: {  	_ =	sdelay $0x2  }
0x8c: {  	s9 =	sadd.s32 $0x1, s9;
	s13 =	sadd.s32 $0x400, s13;
	s28 =	sadd.s32 $0x400, s28  }
0x8d: {  	s5 =	rddreg [dreg:$0x6]  }
0x8e: {  	s28 =	simm.s32 $0x4000;
	s0 =	sadd.s32 s0, s5  }
0x8f: {  	[hbm4b:s0+s4] =	stream.linear.scatter [tilespmem:s28], [sflag:$0x6], $0x4000, $0x38;
	[tilespmem:$0x18000] =	vst v63  }
0x90: {  	_ =	swait.ge [sflag:s20], $0x4000  }
0x91: {  	s0 =	rddreg [dreg:$0x7]  }
0x92: {  	s0 =	sadd.s32 @!p0 s2, s0  }
0x93: {  	[sflag:s20] =	ssyncset.done $0x0;
	s0 =	sshll.u32 @!p0 s0, $0x7  }
0x94: {  	s5 =	simm.s32 @!p0 $0x0;
	[sflag:s20] =	ssyncadd.s32 $0xFFFFC000;
	s2 =	sadd.s32 @!p0 s1, s0  }
0x95: {  	[tilespmem:s5], [sflag:$0x1] =	stream.linear.gather @!p0 [hbm4b:s2+s5], $0x4000, $0x38;
	[tilespmem:$0x18000] =	vst v63  }
0x96: {  	_ =	swait.ge [sflag:s21], $0x4000  }
0x97: {  	s13 =	smov.u32 s7;
	s9 =	simm.s32 $0x0;
	[sflag:s21] =	ssyncset.done $0x0  }
0x98: {  	s12 =	simm.s32 $0x0;
	s2 =	simm.s32 $0x0;
	[sflag:s21] =	ssyncadd.s32 $0xFFFFC000  }
.LBB2_14:
0x99: {  	s5 =	sand.u32 $0x7, s9  }
0x9a: {  	s5 =	sshll.u32 s5, $0x9  }
0x9b: {  	s25 =	sshrl.u32 s5, $0x2  }
0x9c: {  	v0 =	vmov s25;
	_ =	sdelay $0x2  }
0x9d: {  	s28 =	sand.u32 $0x6000, s13  }
0x9e: {  	s5 =	sor.u32 $0x10040, s28  }
0x9f: {  	v1 =	vld.idx.msk [tilespmem:v0+s5+$0x30 ss:$0x1], $0xffff  }
0xa0: {  	v2 =	vld.idx.msk [tilespmem:v0+s5+$0xFFFFFFD0 ss:$0x1], $0xffff  }
0xa1: {  	v3 =	vld.idx.msk [tilespmem:v0+s5+$0xFFFFFFE0 ss:$0x1], $0xffff  }
0xa2: {  	v4 =	vld.idx.msk [tilespmem:v0+s5+$0xFFFFFFF0 ss:$0x1], $0xffff  }
0xa3: {  	v5 =	vld.idx.msk [tilespmem:v0+s5+$0x0 ss:$0x1], $0xffff  }
0xa4: {  	s26 =	sand.u32 $0x3FFFE000, s2;
	v6 =	vld.idx.msk [tilespmem:v0+s5+$0x10 ss:$0x1], $0xffff  }
0xa5: {  	s8 =	sadd.s32 s25, s26;
	v7 =	vld.idx.msk [tilespmem:v0+s5+$0xFFFFFFC0 ss:$0x1], $0xffff  }
0xa6: {  	[tilespmem:s8+$0x8070] =	vst.add.f32.msk $0xffff, v1  }
0xa7: {  	v1 =	vld.idx.msk [tilespmem:v0+s5+$0x20 ss:$0x1], $0xffff  }
0xa8: {  	[tilespmem:s8+$0x8010] =	vst.add.f32.msk $0xffff, v2  }
0xa9: {  	[tilespmem:s8+$0x8020] =	vst.add.f32.msk $0xffff, v3  }
0xaa: {  	[tilespmem:s8+$0x8030] =	vst.add.f32.msk $0xffff, v4  }
0xab: {  	[tilespmem:s8+$0x8040] =	vst.add.f32.msk $0xffff, v5  }
0xac: {  	[tilespmem:s8+$0x8050] =	vst.add.f32.msk $0xffff, v6  }
0xad: {  	[tilespmem:s8+$0x8000] =	vst.add.f32.msk $0xffff, v7  }
0xae: {  	s14 =	simm.s32 $0x0;
	s5 =	sadd.s32 $0x400, s5;
	[tilespmem:s8+$0x8060] =	vst.add.f32.msk $0xffff, v1  }
.LBB2_15:
0xaf: {  	v1 =	vld.idx.msk [tilespmem:v0+s5+$0x30 ss:$0x1], $0xffff;
	s14 =	sadd.s32 $0x8, s14  }
0xb0: {  	v2 =	vld.idx.msk [tilespmem:v0+s5+$0xFFFFFFD0 ss:$0x1], $0xffff;
	p1 =	slt.u32 s14, $0x38  }
0xb1: {  	v3 =	vld.idx.msk [tilespmem:v0+s5+$0xFFFFFFE0 ss:$0x1], $0xffff  }
0xb2: {  	v4 =	vld.idx.msk [tilespmem:v0+s5+$0xFFFFFFF0 ss:$0x1], $0xffff  }
0xb3: {  	s26 =	sadd.s32 $0x400, s26;
	v5 =	vld.idx.msk [tilespmem:v0+s5+$0x0 ss:$0x1], $0xffff  }
0xb4: {  	s8 =	sadd.s32 s25, s26;
	v6 =	vld.idx.msk [tilespmem:v0+s5+$0x10 ss:$0x1], $0xffff  }
0xb5: {  	[tilespmem:s8+$0x8070] =	vst.add.f32.msk $0xffff, v1  }
0xb6: {  	v1 =	vld.idx.msk [tilespmem:v0+s5+$0x20 ss:$0x1], $0xffff  }
0xb7: {  	v7 =	vld.idx.msk [tilespmem:v0+s5+$0xFFFFFFC0 ss:$0x1], $0xffff  }
0xb8: {  	[tilespmem:s8+$0x8010] =	vst.add.f32.msk $0xffff, v2  }
0xb9: {  	[tilespmem:s8+$0x8020] =	vst.add.f32.msk $0xffff, v3  }
.Ltmp6:
0xba: {  	[tilespmem:s8+$0x8030] =	vst.add.f32.msk $0xffff, v4;
	(pc) =	sbr.rel @p1 .LBB2_15-.Ltmp6, $4  }
0xbb: {  	[tilespmem:s8+$0x8040] =	vst.add.f32.msk $0xffff, v5  }
0xbc: {  	[tilespmem:s8+$0x8050] =	vst.add.f32.msk $0xffff, v6  }
0xbd: {  	[tilespmem:s8+$0x8000] =	vst.add.f32.msk $0xffff, v7  }
0xbe: {  	s5 =	sadd.s32 $0x400, s5;
	[tilespmem:s8+$0x8060] =	vst.add.f32.msk $0xffff, v1  }
0xbf: {  	s12 =	sadd.s32 $0x1, s12  }
0xc0: {  	p1 =	sne.s32 s12, $0x10  }
.Ltmp7:
0xc1: {  	_ = 	snop;
	(pc) =	sbr.rel @p1 .LBB2_14-.Ltmp7, $2  }
0xc2: {  	_ =	sdelay $0x2  }
0xc3: {  	s9 =	sadd.s32 $0x1, s9;
	s2 =	sadd.s32 $0x400, s2;
	s13 =	sadd.s32 $0x400, s13  }
0xc4: {  	s2 =	sadd.s32 s3, s30  }
0xc5: {  	[hbm4b:s2+s4] =	stream.linear.scatter [tilespmem:s16], [sflag:$0x7], $0x4000, $0x38;
	[tilespmem:$0x18000] =	vst v63  }
0xc6: {  	_ =	swait.ge [sflag:s22], $0x4000  }
0xc7: {  	s0 =	sadd.s32 @!p0 s0, s11;
	[sflag:s22] =	ssyncset.done $0x0  }
0xc8: {  	s5 =	simm.s32 @!p0 $0x4000;
	s2 =	simm.s32 @!p0 $0x0;
	[sflag:s22] =	ssyncadd.s32 $0xFFFFC000  }
0xc9: {  	[tilespmem:s5], [sflag:$0x2] =	stream.linear.gather @!p0 [hbm4b:s0+s2], $0x4000, $0x38;
	[tilespmem:$0x18000] =	vst v63  }
0xca: {  	_ =	swait.ge [sflag:s23], $0x4000  }
0xcb: {  	s9 =	simm.s32 $0x0;
	s12 =	simm.s32 $0x0;
	[sflag:s23] =	ssyncset.done $0x0  }
0xcc: {  	s0 =	simm.s32 $0x0;
	s2 =	smov.u32 s7;
	[sflag:s23] =	ssyncadd.s32 $0xFFFFC000  }
.LBB2_18:
0xcd: {  	s5 =	sand.u32 $0x7, s9  }
0xce: {  	s5 =	sshll.u32 s5, $0x9  }
0xcf: {  	s13 =	sshrl.u32 s5, $0x2  }
0xd0: {  	v0 =	vmov s13;
	_ =	sdelay $0x2  }
0xd1: {  	s30 =	sand.u32 $0x6000, s2  }
0xd2: {  	s5 =	sor.u32 $0x10040, s30  }
0xd3: {  	v1 =	vld.idx.msk [tilespmem:v0+s5+$0x30 ss:$0x1], $0xffff  }
0xd4: {  	v2 =	vld.idx.msk [tilespmem:v0+s5+$0xFFFFFFD0 ss:$0x1], $0xffff  }
0xd5: {  	v3 =	vld.idx.msk [tilespmem:v0+s5+$0xFFFFFFE0 ss:$0x1], $0xffff  }
0xd6: {  	v4 =	vld.idx.msk [tilespmem:v0+s5+$0xFFFFFFF0 ss:$0x1], $0xffff  }
0xd7: {  	v5 =	vld.idx.msk [tilespmem:v0+s5+$0x0 ss:$0x1], $0xffff  }
0xd8: {  	s25 =	sand.u32 $0x3FFFE000, s0;
	v6 =	vld.idx.msk [tilespmem:v0+s5+$0x10 ss:$0x1], $0xffff  }
0xd9: {  	s8 =	sadd.s32 s13, s25;
	v7 =	vld.idx.msk [tilespmem:v0+s5+$0xFFFFFFC0 ss:$0x1], $0xffff  }
0xda: {  	[tilespmem:s8+$0xC070] =	vst.add.f32.msk $0xffff, v1  }
0xdb: {  	v1 =	vld.idx.msk [tilespmem:v0+s5+$0x20 ss:$0x1], $0xffff  }
0xdc: {  	[tilespmem:s8+$0xC010] =	vst.add.f32.msk $0xffff, v2  }
0xdd: {  	[tilespmem:s8+$0xC020] =	vst.add.f32.msk $0xffff, v3  }
0xde: {  	[tilespmem:s8+$0xC030] =	vst.add.f32.msk $0xffff, v4  }
0xdf: {  	[tilespmem:s8+$0xC040] =	vst.add.f32.msk $0xffff, v5  }
0xe0: {  	[tilespmem:s8+$0xC050] =	vst.add.f32.msk $0xffff, v6  }
0xe1: {  	[tilespmem:s8+$0xC000] =	vst.add.f32.msk $0xffff, v7  }
0xe2: {  	s14 =	simm.s32 $0x0;
	s5 =	sadd.s32 $0x400, s5;
	[tilespmem:s8+$0xC060] =	vst.add.f32.msk $0xffff, v1  }
.LBB2_19:
0xe3: {  	v1 =	vld.idx.msk [tilespmem:v0+s5+$0x30 ss:$0x1], $0xffff;
	s14 =	sadd.s32 $0x8, s14  }
0xe4: {  	v2 =	vld.idx.msk [tilespmem:v0+s5+$0xFFFFFFD0 ss:$0x1], $0xffff;
	p0 =	slt.u32 s14, $0x38  }
0xe5: {  	v3 =	vld.idx.msk [tilespmem:v0+s5+$0xFFFFFFE0 ss:$0x1], $0xffff  }
0xe6: {  	v4 =	vld.idx.msk [tilespmem:v0+s5+$0xFFFFFFF0 ss:$0x1], $0xffff  }
0xe7: {  	s25 =	sadd.s32 $0x400, s25;
	v5 =	vld.idx.msk [tilespmem:v0+s5+$0x0 ss:$0x1], $0xffff  }
0xe8: {  	s8 =	sadd.s32 s13, s25;
	v6 =	vld.idx.msk [tilespmem:v0+s5+$0x10 ss:$0x1], $0xffff  }
0xe9: {  	[tilespmem:s8+$0xC070] =	vst.add.f32.msk $0xffff, v1  }
0xea: {  	v1 =	vld.idx.msk [tilespmem:v0+s5+$0x20 ss:$0x1], $0xffff  }
0xeb: {  	v7 =	vld.idx.msk [tilespmem:v0+s5+$0xFFFFFFC0 ss:$0x1], $0xffff  }
0xec: {  	[tilespmem:s8+$0xC010] =	vst.add.f32.msk $0xffff, v2  }
0xed: {  	[tilespmem:s8+$0xC020] =	vst.add.f32.msk $0xffff, v3  }
.Ltmp8:
0xee: {  	[tilespmem:s8+$0xC030] =	vst.add.f32.msk $0xffff, v4;
	(pc) =	sbr.rel @p0 .LBB2_19-.Ltmp8, $4  }
0xef: {  	[tilespmem:s8+$0xC040] =	vst.add.f32.msk $0xffff, v5  }
0xf0: {  	[tilespmem:s8+$0xC050] =	vst.add.f32.msk $0xffff, v6  }
0xf1: {  	[tilespmem:s8+$0xC000] =	vst.add.f32.msk $0xffff, v7  }
0xf2: {  	s5 =	sadd.s32 $0x400, s5;
	[tilespmem:s8+$0xC060] =	vst.add.f32.msk $0xffff, v1  }
0xf3: {  	s12 =	sadd.s32 $0x1, s12  }
0xf4: {  	p0 =	sne.s32 s12, $0x10  }
.Ltmp9:
0xf5: {  	_ = 	snop;
	(pc) =	sbr.rel @p0 .LBB2_18-.Ltmp9, $2  }
0xf6: {  	_ =	sdelay $0x2  }
0xf7: {  	s9 =	sadd.s32 $0x1, s9;
	s0 =	sadd.s32 $0x400, s0;
	s2 =	sadd.s32 $0x400, s2  }
0xf8: {  	s29 =	sadd.s32 $0x1, s29  }
0xf9: {  	p0 =	sne.s32 s29, $0x10  }
.Ltmp10:
0xfa: {  	_ = 	snop;
	(pc) =	sbr.rel @p0 .LBB2_2-.Ltmp10, $3  }
0xfb: {  	_ =	sdelay $0x1  }
0xfc: {  	s0 =	sadd.s32 s3, s31;
	s7 =	sadd.s32 $0x4000, s7  }
0xfd: {  	[hbm4b:s0+s4] =	stream.linear.scatter [tilespmem:s18], [sflag:$0x8], $0x4000, $0x38;
	[tilespmem:$0x18000] =	vst v63  }
0xfe: {  	_ =	swait.ge [sflag:s24], $0x4000  }
0xff: {  	[sflag:s24] =	ssyncset.done $0x0  }
0x100: {  	s2 =	simm.s32 $0x8;
	[sflag:s24] =	ssyncadd.s32 $0xFFFFC000  }
0x101: {  	_ =	swait.ge [sflag:s2], $0x4000  }
0x102: {  	s5 =	rddreg [dreg:$0x9]  }
0x103: {  	s0 =	rddreg [dreg:$0x8];
	s5 =	sadd.s32 $0x1, s5  }
0x104: {  	p0 =	sne.s32 s5, s0  }
.Ltmp11:
0x105: {  	_ = 	snop;
	(pc) =	sbr.rel @p0 .LBB2_1-.Ltmp11, $3  }
0x106: {  	_ =	sdelay $0x1  }
0x107: {  	[sflag:s2] =	ssyncset.done $0x0  }
0x108: {  	[sflag:s2] =	ssyncadd.s32 $0xFFFFC000  }
0x109: {  	_ =	sfence.sel $0x180000  }
0x10a: {  	[bflag:$0x0] =	sbarrier.arrive $0xFFFF  }
0x10b: {  	_ =	strace $0x90000047  }
0x10c: {  	s0 =	stileid.u32;
	[bflag:$0x2] =	sbarrier.arrive $0xFFFF  }
0x10d: {  	p0 =	sne.s32 s0, $0x0;
	s0 =	rddreg [dreg:$0x3]  }
0x10e: {  	s0 =	sadd.s32 @!p0 $0x100000, s0  }
0x10f: {  	[sflag:s0] =	ssyncadd.tile.s32 @!p0 $0x1;
	_ =	shalt  }
.Lfunc_end2:
_tile_overlayer_lowered:
.L_overlay_start_2:
0x110: {  	(tag) =	ssettag $0x2  }
0x111: {  	s0 =	rddreg [dreg:$0x0];
	s2 =	stileid.u32  }
0x112: {  	s1 =	rddreg [dreg:$0x1];
	p0 =	sne.s32 s2, $0x0  }
0x113: {  	s3 =	rddreg [dreg:$0x2];
	[bflag:$0x3] =	sbarrier.arrive $0xFFFF;
	s2 =	simm.s32 @!p0 $0x1C0A  }
0x114: {  	[timem:s3], [sflag:s2] =	dma.local @!p0 [hbm:s0], s1  }
0x115: {  	s0 =	simm.s32 @!p0 $0xA  }
0x116: {  	_ =	swait.ge @!p0 [sflag:s0], s1  }
0x117: {  	s1 =	ssub.s32 @!p0 $0x0, s1;
	[sflag:s0] =	ssyncset.done @!p0 $0x0  }
0x118: {  	[sflag:s0] =	ssyncadd.s32 @!p0 s1  }
0x119: {  	[bflag:$0x3] =	sbarrier.arrive $0xFFFF  }
0x11a: {  	_ =	shalt  }

</sc_bundles>
